<compile_context>
chip_gen: v7x
topology: tpu7x:2x2x1
jax: 0.10.2.dev20260603
libtpu: 0.0.44.dev20260713+nightly
codegen_flags: <defaults>
</compile_context>

<pallas_src>
import functools

import jax
import jax.numpy as jnp
from jax import lax
from jax.experimental import pallas as pl
from jax.experimental.pallas import tpu as pltpu
from jax.experimental.pallas import tpu_sc as plsc

N_NODES = 10000
IN_CH = 128
OUT_CH = 128
EPS = 1e-5

NC = 2
NS = 16
NW = NC * NS
K = 128
NSPLIT = 1
N_ACC = 10240
STRIPE = N_ACC // NS


def _sc_mesh():
    return plsc.VectorSubcoreMesh(
        core_axis_name="c", subcore_axis_name="s", num_cores=NC, num_subcores=NS
    )


def _deg_body(na, nb, dst_hbm, zeros_hbm, deg_hbm, dst_v, zbuf, ones_v,
              obuf, deg_s):
    cid = lax.axis_index("c")
    sid = lax.axis_index("s")
    wid = cid * NS + sid
    nch = jnp.where(cid == 0, na, nb)

    pltpu.sync_copy(dst_hbm.at[wid], dst_v)
    pltpu.sync_copy(zeros_hbm, zbuf)
    pltpu.sync_copy(zbuf, deg_s.at[pl.ds(sid * STRIPE, STRIPE)])
    for i in range(K // 16):
        ones_v[pl.ds(i * 16, 16)] = jnp.ones((16,), jnp.float32)
    plsc.subcore_barrier()

    def chunk(j, carry):
        pltpu.sync_copy(ones_v, deg_s.at[dst_v.at[j]], add=True)
        return carry

    lax.fori_loop(0, nch, chunk, 0)
    plsc.subcore_barrier()

    pltpu.sync_copy(deg_s.at[pl.ds(sid * STRIPE, STRIPE)], obuf)
    pltpu.sync_copy(obuf, deg_hbm.at[cid, pl.ds(sid * STRIPE, STRIPE)])


def _deg_kernel(dst3, zeros1d, na, nb):
    D = dst3.shape[1]
    return pl.kernel(
        functools.partial(_deg_body, na, nb),
        out_type=jax.ShapeDtypeStruct((NC, N_ACC), jnp.float32),
        mesh=_sc_mesh(),
        scratch_types=[
            pltpu.VMEM((D, K), jnp.int32),
            pltpu.VMEM((STRIPE,), jnp.float32),
            pltpu.VMEM((K,), jnp.float32),
            pltpu.VMEM((STRIPE,), jnp.float32),
            pltpu.VMEM_SHARED((N_ACC,), jnp.float32),
        ],
    )(dst3, zeros1d)


def _g_body(x_ref, w_ref, deg_ref, g_ref):
    h = lax.dot_general(
        x_ref[...], w_ref[...], (((1,), (1,)), ((), ())),
        preferred_element_type=jnp.float32)
    deg = 1.0 + deg_ref[0, :] + deg_ref[1, :]
    dinv = lax.rsqrt(deg)
    g_ref[...] = h * dinv[:, None]


def _g_kernel(x_pad, W, deg2):
    nb = 10
    blk = N_ACC // nb
    return pl.pallas_call(
        _g_body,
        grid=(nb,),
        in_specs=[
            pl.BlockSpec((blk, IN_CH), lambda i: (i, 0)),
            pl.BlockSpec((OUT_CH, IN_CH), lambda i: (0, 0)),
            pl.BlockSpec((NC, blk), lambda i: (0, i)),
        ],
        out_specs=pl.BlockSpec((blk, OUT_CH), lambda i: (i, 0)),
        out_shape=jax.ShapeDtypeStruct((N_ACC, OUT_CH), jnp.float32),
    )(x_pad, W, deg2)


def _scatter_body(na, nb, g_hbm, src_hbm, dst_hbm, zeros_hbm, p_hbm,
                  sidx0, sidx1, didx0, didx1, rows0, rows1, acc_s,
                  sems_g0, sems_g1, sem_s0, sem_s1, sem_d0, sem_d1):
    cid = lax.axis_index("c")
    sid = lax.axis_index("s")
    wid = cid * NS + sid
    nch = jnp.where(cid == 0, na, nb)
    src_w = src_hbm.at[wid]
    dst_w = dst_hbm.at[wid]

    def idx_start(hbm_row, buf, sem):
        pltpu.async_copy(hbm_row, buf, sem)

    def idx_wait(hbm_row, buf, sem):
        pltpu.make_async_copy(hbm_row, buf, sem).wait()

    SLICE = K // NSPLIT

    def g_start(sbuf, buf, sems):
        for s in range(NSPLIT):
            pltpu.async_copy(g_hbm.at[sbuf.at[pl.ds(s * SLICE, SLICE)]],
                             buf.at[pl.ds(s * SLICE, SLICE)], sems[s])

    def g_wait(sbuf, buf, sems):
        for s in range(NSPLIT):
            pltpu.make_async_copy(g_hbm.at[sbuf.at[pl.ds(s * SLICE, SLICE)]],
                                  buf.at[pl.ds(s * SLICE, SLICE)],
                                  sems[s]).wait()

    idx_start(src_w.at[0], sidx0, sem_s0)
    idx_start(src_w.at[1], sidx1, sem_s1)
    idx_start(dst_w.at[0], didx0, sem_d0)
    idx_start(dst_w.at[1], didx1, sem_d1)

    pltpu.sync_copy(zeros_hbm, rows0)
    for k in range(STRIPE // K):
        pltpu.sync_copy(rows0, acc_s.at[pl.ds(sid * STRIPE + k * K, K)])
    plsc.subcore_barrier()

    idx_wait(src_w.at[0], sidx0, sem_s0)
    g_start(sidx0, rows0, sems_g0)
    idx_wait(src_w.at[1], sidx1, sem_s1)
    g_start(sidx1, rows1, sems_g1)

    def step(i, carry):
        c0 = 2 * i
        c1 = c0 + 1
        g_wait(sidx0, rows0, sems_g0)
        idx_start(src_w.at[c0 + 2], sidx0, sem_s0)
        idx_wait(dst_w.at[c0], didx0, sem_d0)
        pltpu.sync_copy(rows0, acc_s.at[didx0], add=True)
        idx_wait(src_w.at[c0 + 2], sidx0, sem_s0)
        g_start(sidx0, rows0, sems_g0)
        idx_start(dst_w.at[c0 + 2], didx0, sem_d0)
        g_wait(sidx1, rows1, sems_g1)
        idx_start(src_w.at[c1 + 2], sidx1, sem_s1)
        idx_wait(dst_w.at[c1], didx1, sem_d1)
        pltpu.sync_copy(rows1, acc_s.at[didx1], add=True)
        idx_wait(src_w.at[c1 + 2], sidx1, sem_s1)
        g_start(sidx1, rows1, sems_g1)
        idx_start(dst_w.at[c1 + 2], didx1, sem_d1)
        return carry

    lax.fori_loop(0, nch // 2, step, 0)
    g_wait(sidx0, rows0, sems_g0)
    g_wait(sidx1, rows1, sems_g1)
    idx_wait(dst_w.at[0], didx0, sem_d0)
    idx_wait(dst_w.at[1], didx1, sem_d1)
    plsc.subcore_barrier()

    for k in range(STRIPE // K):
        r0 = sid * STRIPE + k * K
        pltpu.sync_copy(acc_s.at[pl.ds(r0, K)], rows0)
        pltpu.sync_copy(rows0, p_hbm.at[cid, pl.ds(r0, K)])


def _scatter_kernel(g, src3, dst3, zeros2d, na, nb):
    return pl.kernel(
        functools.partial(_scatter_body, na, nb),
        out_type=jax.ShapeDtypeStruct((NC, N_ACC, OUT_CH), jnp.float32),
        mesh=_sc_mesh(),
        scratch_types=[
            pltpu.VMEM((K,), jnp.int32),
            pltpu.VMEM((K,), jnp.int32),
            pltpu.VMEM((K,), jnp.int32),
            pltpu.VMEM((K,), jnp.int32),
            pltpu.VMEM((K, OUT_CH), jnp.float32),
            pltpu.VMEM((K, OUT_CH), jnp.float32),
            pltpu.VMEM_SHARED((N_ACC, OUT_CH), jnp.float32),
            [pltpu.SemaphoreType.DMA] * NSPLIT,
            [pltpu.SemaphoreType.DMA] * NSPLIT,
            pltpu.SemaphoreType.DMA,
            pltpu.SemaphoreType.DMA,
            pltpu.SemaphoreType.DMA,
            pltpu.SemaphoreType.DMA,
        ],
    )(g, src3, dst3, zeros2d)


def _z_body(blk, p_ref, g_ref, deg_ref, b_ref, z_ref, stats_ref):
    i = pl.program_id(0)
    deg = 1.0 + deg_ref[0, :] + deg_ref[1, :]
    dinv = lax.rsqrt(deg)
    z = (p_ref[0] + p_ref[1] + g_ref[...]) * dinv[:, None] + b_ref[...]
    row = i * blk + lax.broadcasted_iota(jnp.int32, (blk, OUT_CH), 0)
    z = jnp.where(row < N_NODES, z, 0.0)
    z_ref[...] = z

    @pl.when(i == 0)
    def _():
        stats_ref[...] = jnp.zeros_like(stats_ref)

    s1 = jnp.sum(z, axis=0)[None, :]
    s2 = jnp.sum(z * z, axis=0)[None, :]
    pad = jnp.zeros((6, OUT_CH), jnp.float32)
    stats_ref[...] += jnp.concatenate([s1, s2, pad], axis=0)


def _z_kernel(P, g, deg2, b):
    nb = 10
    blk = N_ACC // nb
    return pl.pallas_call(
        functools.partial(_z_body, blk),
        grid=(nb,),
        in_specs=[
            pl.BlockSpec((NC, blk, OUT_CH), lambda i: (0, i, 0)),
            pl.BlockSpec((blk, OUT_CH), lambda i: (i, 0)),
            pl.BlockSpec((NC, blk), lambda i: (0, i)),
            pl.BlockSpec((1, OUT_CH), lambda i: (0, 0)),
        ],
        out_specs=[
            pl.BlockSpec((blk, OUT_CH), lambda i: (i, 0)),
            pl.BlockSpec((8, OUT_CH), lambda i: (0, 0)),
        ],
        out_shape=[
            jax.ShapeDtypeStruct((N_ACC, OUT_CH), jnp.float32),
            jax.ShapeDtypeStruct((8, OUT_CH), jnp.float32),
        ],
    )(P, g, deg2, b)


def _bn_body(z_ref, stats_ref, gamma_ref, beta_ref, o_ref):
    n = jnp.float32(N_NODES)
    mean = stats_ref[0, :] / n
    var = stats_ref[1, :] / n - mean * mean
    scale = gamma_ref[0, :] * lax.rsqrt(var + EPS)
    shift = beta_ref[0, :] - mean * scale
    o_ref[...] = jnp.maximum(z_ref[...] * scale[None, :] + shift[None, :], 0.0)


def _bn_kernel(z, stats, gamma, beta):
    nb = 10
    blk = N_ACC // nb
    return pl.pallas_call(
        _bn_body,
        grid=(nb,),
        in_specs=[
            pl.BlockSpec((blk, OUT_CH), lambda i: (i, 0)),
            pl.BlockSpec((8, OUT_CH), lambda i: (0, 0)),
            pl.BlockSpec((1, OUT_CH), lambda i: (0, 0)),
            pl.BlockSpec((1, OUT_CH), lambda i: (0, 0)),
        ],
        out_specs=pl.BlockSpec((blk, OUT_CH), lambda i: (i, 0)),
        out_shape=jax.ShapeDtypeStruct((N_ACC, OUT_CH), jnp.float32),
    )(z, stats, gamma, beta)


def kernel(x, edge_index, W, b, gamma, beta):
    E = edge_index.shape[1]
    src = edge_index[0].astype(jnp.int32)
    dst = edge_index[1].astype(jnp.int32)

    tot = -(-E // (NS * K))
    na = -(-(tot * 57) // 100)
    na += na % 2
    nb = tot - na
    nb += nb % 2
    cap = NS * (na + nb) * K
    src_p = jnp.concatenate([src, jnp.zeros((cap - E,), jnp.int32)])
    trash = N_NODES + jnp.arange(cap - E, dtype=jnp.int32) % (N_ACC - N_NODES)
    dst_p = jnp.concatenate([dst, trash])
    D = -(-(max(na, nb) + 2) // 8) * 8
    cut = NS * na * K

    def to3(flat, n, fill):
        part = flat.reshape(NS, n, K)
        pad = jnp.full((NS, D - n, K), fill, jnp.int32)
        return jnp.concatenate([part, pad], axis=1)

    src3 = jnp.concatenate(
        [to3(src_p[:cut], na, 0), to3(src_p[cut:], nb, 0)], axis=0)
    dst3 = jnp.concatenate(
        [to3(dst_p[:cut], na, N_NODES), to3(dst_p[cut:], nb, N_NODES)],
        axis=0)

    zeros1d = jnp.zeros((STRIPE,), jnp.float32)
    zeros2d = jnp.zeros((K, OUT_CH), jnp.float32)
    x_pad = jnp.concatenate(
        [x, jnp.zeros((N_ACC - N_NODES, IN_CH), jnp.float32)])

    deg2 = _deg_kernel(dst3, zeros1d, na, nb)
    g = _g_kernel(x_pad, W, deg2)
    P = _scatter_kernel(g, src3, dst3, zeros2d, na, nb)
    z, stats = _z_kernel(P, g, deg2, b.reshape(1, OUT_CH))
    out = _bn_kernel(z, stats, gamma.reshape(1, OUT_CH),
                     beta.reshape(1, OUT_CH))
    return out[:N_NODES]

# --- scband reference (transcript-rebuilt; emitter-appended) ---
"""Pipeline reference for scband-graph-conv-block-41034117546447 (READ-ONLY COPY).

The authoritative reference and input builder live on the scoring server;
editing this copy changes nothing except your own understanding.
"""

import jax, jax.numpy as jnp
import numpy as np

N_NODES = 10000
N_EDGES = 320000
IN_CH = 128
OUT_CH = 128
EPS = 1e-5


def setup_inputs(seed: int = 0) -> dict:
    key = jax.random.key(seed)
    k_x, k_e, k_w, k_b = jax.random.split(key, 4)
    x = jax.random.normal(k_x, (N_NODES, IN_CH), dtype=jnp.float32)
    edge_index = jax.random.randint(k_e, (2, N_EDGES), 0, N_NODES, dtype=jnp.int64)
    # GCNConv linear weight (PyG stores weight as [out_channels, in_channels])
    scale = 1.0 / np.sqrt(IN_CH)
    W = jax.random.uniform(k_w, (OUT_CH, IN_CH), minval=-scale, maxval=scale, dtype=jnp.float32)
    b = jax.random.uniform(k_b, (OUT_CH,), minval=-scale, maxval=scale, dtype=jnp.float32)
    # BatchNorm1d affine params
    gamma = jnp.ones((OUT_CH,), dtype=jnp.float32)
    beta = jnp.zeros((OUT_CH,), dtype=jnp.float32)
    return {"x": x, "edge_index": edge_index, "W": W, "b": b, "gamma": gamma, "beta": beta}


def reference(x, edge_index, W, b, gamma, beta):
    N = x.shape[0]
    src = edge_index[0]
    dst = edge_index[1]
    # add self-loops (GCNConv default add_self_loops=True)
    loop = jnp.arange(N, dtype=edge_index.dtype)
    src = jnp.concatenate([src, loop])
    dst = jnp.concatenate([dst, loop])
    # symmetric normalization deg^{-1/2} A_hat deg^{-1/2}
    deg = jnp.zeros((N,), dtype=jnp.float32).at[dst].add(1.0)
    deg_inv_sqrt = jnp.where(deg > 0, deg ** -0.5, 0.0)
    norm = deg_inv_sqrt[src] * deg_inv_sqrt[dst]
    # linear transform then propagate
    h = x @ W.T
    msg = h[src] * norm[:, None]
    out = jnp.zeros((N, h.shape[1]), dtype=jnp.float32).at[dst].add(msg)
    out = out + b
    # BatchNorm1d (training mode: batch statistics)
    mean = jnp.mean(out, axis=0)
    var = jnp.var(out, axis=0)
    out = gamma * (out - mean) / jnp.sqrt(var + EPS) + beta
    # ReLU
    return jax.nn.relu(out)

if __name__ == "__main__":
    import jax
    _d = setup_inputs()
    print(jax.jit(kernel)(*tuple(_d.values())))

</pallas_src>

<mosaic_0001>
#map = affine_map<(d0, d1) -> (0, 0, 0)>
#map1 = affine_map<(d0, d1) -> (0)>
#map2 = affine_map<(d0, d1) -> (0, 0)>
module attributes {stable_mosaic.version = 14 : i64} {
  func.func @_deg_body(%arg0: i32, %arg1: i32, %arg2: memref<32x96x128xi32, #tpu.memory_space<hbm>>, %arg3: memref<640xf32, #tpu.memory_space<hbm>>, %arg4: memref<2x10240xf32, #tpu.memory_space<hbm>>, %arg5: memref<96x128xi32, #tpu.memory_space<vmem>>, %arg6: memref<640xf32, #tpu.memory_space<vmem>>, %arg7: memref<128xf32, #tpu.memory_space<vmem>>, %arg8: memref<640xf32, #tpu.memory_space<vmem>>, %arg9: memref<10240xf32, #tpu.memory_space<vmem_shared>>) attributes {dimension_semantics = [#tpu.dimension_semantics<core_parallel>, #tpu.dimension_semantics<subcore_parallel>], iteration_bounds = array<i64: 2, 16>, scalar_prefetch = 0 : i64, scratch_operands = 5 : i64, tpu.core_type = #tpu.core_type<sc_vector_subcore>, window_params = [{transform_indices = #map}, {transform_indices = #map1}, {transform_indices = #map2}]} {
    %mul3A = arith.constant 16 : i32
    %mul3A_0 = arith.muli %arg0, %mul3A : i32
    %add3A = arith.addi %mul3A_0, %arg1 : i32
    %eq3A = arith.constant 0 : i32
    %eq3A_1 = arith.cmpi eq, %arg0, %eq3A : i32
    %jit3A = arith.constant 90 : i32
    %jit3A_2 = arith.constant 68 : i32
    %select_n3A = arith.select %eq3A_1, %jit3A, %jit3A_2 : i32
    "tpu.region"() ({
      %run_scoped3A = tpu.sem_alloc : memref<!tpu.dma_semaphore, #tpu.memory_space<semaphore_mem>>
      %dma_start3A = arith.constant 0 : i32
      %dma_start3A_65 = arith.constant 0 : i32
      %dma_start3A_66 = tpu.memref_slice %arg2[%add3A, %dma_start3A, %dma_start3A_65] : memref<32x96x128xi32, #tpu.memory_space<hbm>> -> memref<1x96x128xi32, #tpu.memory_space<hbm>>
      %dma_start3A_67 = tpu.memref_squeeze %dma_start3A_66 : memref<1x96x128xi32, #tpu.memory_space<hbm>> -> memref<96x128xi32, #tpu.memory_space<hbm>>
      %dma_start3A_68 = arith.constant 0 : i32
      %dma_start3A_69 = arith.constant 0 : i32
      %dma_start3A_70 = tpu.memref_slice %arg2[%add3A, %dma_start3A_68, %dma_start3A_69] : memref<32x96x128xi32, #tpu.memory_space<hbm>> -> memref<1x96x128xi32, #tpu.memory_space<hbm>>
      %dma_start3A_71 = tpu.memref_squeeze %dma_start3A_70 : memref<1x96x128xi32, #tpu.memory_space<hbm>> -> memref<96x128xi32, #tpu.memory_space<hbm>>
      tpu.enqueue_dma source(%dma_start3A_71 : memref<96x128xi32, #tpu.memory_space<hbm>>) target(%arg5 : memref<96x128xi32, #tpu.memory_space<vmem>>) target_semaphore(%run_scoped3A : memref<!tpu.dma_semaphore, #tpu.memory_space<semaphore_mem>>)
      %dma_wait3A = arith.constant 0 : i32
      %dma_wait3A_72 = arith.constant 0 : i32
      %dma_wait3A_73 = tpu.memref_slice %arg2[%add3A, %dma_wait3A, %dma_wait3A_72] : memref<32x96x128xi32, #tpu.memory_space<hbm>> -> memref<1x96x128xi32, #tpu.memory_space<hbm>>
      %dma_wait3A_74 = tpu.memref_squeeze %dma_wait3A_73 : memref<1x96x128xi32, #tpu.memory_space<hbm>> -> memref<96x128xi32, #tpu.memory_space<hbm>>
      %dma_wait3A_75 = arith.constant 0 : i32
      %dma_wait3A_76 = arith.constant 0 : i32
      %dma_wait3A_77 = tpu.memref_slice %arg2[%add3A, %dma_wait3A_75, %dma_wait3A_76] : memref<32x96x128xi32, #tpu.memory_space<hbm>> -> memref<1x96x128xi32, #tpu.memory_space<hbm>>
      %dma_wait3A_78 = tpu.memref_squeeze %dma_wait3A_77 : memref<1x96x128xi32, #tpu.memory_space<hbm>> -> memref<96x128xi32, #tpu.memory_space<hbm>>
      tpu.wait_dma2 semaphore(%run_scoped3A : memref<!tpu.dma_semaphore, #tpu.memory_space<semaphore_mem>>) src(%dma_wait3A_78 : memref<96x128xi32, #tpu.memory_space<hbm>>) dst(%arg5 : memref<96x128xi32, #tpu.memory_space<vmem>>)
      tpu.yield
    }) : () -> ()
    "tpu.region"() ({
      %run_scoped3A = tpu.sem_alloc : memref<!tpu.dma_semaphore, #tpu.memory_space<semaphore_mem>>
      tpu.enqueue_dma source(%arg3 : memref<640xf32, #tpu.memory_space<hbm>>) target(%arg6 : memref<640xf32, #tpu.memory_space<vmem>>) target_semaphore(%run_scoped3A : memref<!tpu.dma_semaphore, #tpu.memory_space<semaphore_mem>>)
      tpu.wait_dma2 semaphore(%run_scoped3A : memref<!tpu.dma_semaphore, #tpu.memory_space<semaphore_mem>>) src(%arg3 : memref<640xf32, #tpu.memory_space<hbm>>) dst(%arg6 : memref<640xf32, #tpu.memory_space<vmem>>)
      tpu.yield
    }) : () -> ()
    %mul3A_3 = arith.constant 640 : i32
    %mul3A_4 = arith.muli %arg1, %mul3A_3 : i32
    "tpu.region"() ({
      %run_scoped3A = tpu.sem_alloc : memref<!tpu.dma_semaphore, #tpu.memory_space<semaphore_mem>>
      %dma_start3A = tpu.memref_slice %arg9[%mul3A_4] : memref<10240xf32, #tpu.memory_space<vmem_shared>> -> memref<640xf32, #tpu.memory_space<vmem_shared>>
      %dma_start3A_65 = tpu.memref_slice %arg9[%mul3A_4] : memref<10240xf32, #tpu.memory_space<vmem_shared>> -> memref<640xf32, #tpu.memory_space<vmem_shared>>
      tpu.enqueue_dma source(%arg6 : memref<640xf32, #tpu.memory_space<vmem>>) target(%dma_start3A_65 : memref<640xf32, #tpu.memory_space<vmem_shared>>) target_semaphore(%run_scoped3A : memref<!tpu.dma_semaphore, #tpu.memory_space<semaphore_mem>>)
      %dma_wait3A = tpu.memref_slice %arg9[%mul3A_4] : memref<10240xf32, #tpu.memory_space<vmem_shared>> -> memref<640xf32, #tpu.memory_space<vmem_shared>>
      %dma_wait3A_66 = tpu.memref_slice %arg9[%mul3A_4] : memref<10240xf32, #tpu.memory_space<vmem_shared>> -> memref<640xf32, #tpu.memory_space<vmem_shared>>
      tpu.wait_dma2 semaphore(%run_scoped3A : memref<!tpu.dma_semaphore, #tpu.memory_space<semaphore_mem>>) src(%arg6 : memref<640xf32, #tpu.memory_space<vmem>>) dst(%dma_wait3A_66 : memref<640xf32, #tpu.memory_space<vmem_shared>>)
      tpu.yield
    }) : () -> ()
    %broadcast_in_dim3A = arith.constant 1.000000e+00 : f32
    %broadcast_in_dim3A_5 = vector.broadcast %broadcast_in_dim3A : f32 to vector<16xf32>
    %swap3A = arith.constant 0 : index
    %swap3A_6 = tpu.vector_load %arg7[%swap3A] {strides = array<i32>} : memref<128xf32, #tpu.memory_space<vmem>>, vector<16xf32>,
    %swap3A_7 = vector.shape_cast %swap3A_6 : vector<16xf32> to vector<16xf32>
    %swap3A_8 = vector.shape_cast %broadcast_in_dim3A_5 : vector<16xf32> to vector<16xf32>
    tpu.vector_store %arg7[%swap3A], %swap3A_8 {strides = array<i32>} : memref<128xf32, #tpu.memory_space<vmem>>, vector<16xf32>,
    %broadcast_in_dim3A_9 = arith.constant 1.000000e+00 : f32
    %broadcast_in_dim3A_10 = vector.broadcast %broadcast_in_dim3A_9 : f32 to vector<16xf32>
    %swap3A_11 = arith.constant 16 : index
    %swap3A_12 = tpu.vector_load %arg7[%swap3A_11] {strides = array<i32>} : memref<128xf32, #tpu.memory_space<vmem>>, vector<16xf32>,
    %swap3A_13 = vector.shape_cast %swap3A_12 : vector<16xf32> to vector<16xf32>
    %swap3A_14 = vector.shape_cast %broadcast_in_dim3A_10 : vector<16xf32> to vector<16xf32>
    tpu.vector_store %arg7[%swap3A_11], %swap3A_14 {strides = array<i32>} : memref<128xf32, #tpu.memory_space<vmem>>, vector<16xf32>,
    %broadcast_in_dim3A_15 = arith.constant 1.000000e+00 : f32
    %broadcast_in_dim3A_16 = vector.broadcast %broadcast_in_dim3A_15 : f32 to vector<16xf32>
    %swap3A_17 = arith.constant 32 : index
    %swap3A_18 = tpu.vector_load %arg7[%swap3A_17] {strides = array<i32>} : memref<128xf32, #tpu.memory_space<vmem>>, vector<16xf32>,
    %swap3A_19 = vector.shape_cast %swap3A_18 : vector<16xf32> to vector<16xf32>
    %swap3A_20 = vector.shape_cast %broadcast_in_dim3A_16 : vector<16xf32> to vector<16xf32>
    tpu.vector_store %arg7[%swap3A_17], %swap3A_20 {strides = array<i32>} : memref<128xf32, #tpu.memory_space<vmem>>, vector<16xf32>,
    %broadcast_in_dim3A_21 = arith.constant 1.000000e+00 : f32
    %broadcast_in_dim3A_22 = vector.broadcast %broadcast_in_dim3A_21 : f32 to vector<16xf32>
    %swap3A_23 = arith.constant 48 : index
    %swap3A_24 = tpu.vector_load %arg7[%swap3A_23] {strides = array<i32>} : memref<128xf32, #tpu.memory_space<vmem>>, vector<16xf32>,
    %swap3A_25 = vector.shape_cast %swap3A_24 : vector<16xf32> to vector<16xf32>
    %swap3A_26 = vector.shape_cast %broadcast_in_dim3A_22 : vector<16xf32> to vector<16xf32>
    tpu.vector_store %arg7[%swap3A_23], %swap3A_26 {strides = array<i32>} : memref<128xf32, #tpu.memory_space<vmem>>, vector<16xf32>,
    %broadcast_in_dim3A_27 = arith.constant 1.000000e+00 : f32
    %broadcast_in_dim3A_28 = vector.broadcast %broadcast_in_dim3A_27 : f32 to vector<16xf32>
    %swap3A_29 = arith.constant 64 : index
    %swap3A_30 = tpu.vector_load %arg7[%swap3A_29] {strides = array<i32>} : memref<128xf32, #tpu.memory_space<vmem>>, vector<16xf32>,
    %swap3A_31 = vector.shape_cast %swap3A_30 : vector<16xf32> to vector<16xf32>
    %swap3A_32 = vector.shape_cast %broadcast_in_dim3A_28 : vector<16xf32> to vector<16xf32>
    tpu.vector_store %arg7[%swap3A_29], %swap3A_32 {strides = array<i32>} : memref<128xf32, #tpu.memory_space<vmem>>, vector<16xf32>,
    %broadcast_in_dim3A_33 = arith.constant 1.000000e+00 : f32
    %broadcast_in_dim3A_34 = vector.broadcast %broadcast_in_dim3A_33 : f32 to vector<16xf32>
    %swap3A_35 = arith.constant 80 : index
    %swap3A_36 = tpu.vector_load %arg7[%swap3A_35] {strides = array<i32>} : memref<128xf32, #tpu.memory_space<vmem>>, vector<16xf32>,
    %swap3A_37 = vector.shape_cast %swap3A_36 : vector<16xf32> to vector<16xf32>
    %swap3A_38 = vector.shape_cast %broadcast_in_dim3A_34 : vector<16xf32> to vector<16xf32>
    tpu.vector_store %arg7[%swap3A_35], %swap3A_38 {strides = array<i32>} : memref<128xf32, #tpu.memory_space<vmem>>, vector<16xf32>,
    %broadcast_in_dim3A_39 = arith.constant 1.000000e+00 : f32
    %broadcast_in_dim3A_40 = vector.broadcast %broadcast_in_dim3A_39 : f32 to vector<16xf32>
    %swap3A_41 = arith.constant 96 : index
    %swap3A_42 = tpu.vector_load %arg7[%swap3A_41] {strides = array<i32>} : memref<128xf32, #tpu.memory_space<vmem>>, vector<16xf32>,
    %swap3A_43 = vector.shape_cast %swap3A_42 : vector<16xf32> to vector<16xf32>
    %swap3A_44 = vector.shape_cast %broadcast_in_dim3A_40 : vector<16xf32> to vector<16xf32>
    tpu.vector_store %arg7[%swap3A_41], %swap3A_44 {strides = array<i32>} : memref<128xf32, #tpu.memory_space<vmem>>, vector<16xf32>,
    %broadcast_in_dim3A_45 = arith.constant 1.000000e+00 : f32
    %broadcast_in_dim3A_46 = vector.broadcast %broadcast_in_dim3A_45 : f32 to vector<16xf32>
    %swap3A_47 = arith.constant 112 : index
    %swap3A_48 = tpu.vector_load %arg7[%swap3A_47] {strides = array<i32>} : memref<128xf32, #tpu.memory_space<vmem>>, vector<16xf32>,
    %swap3A_49 = vector.shape_cast %swap3A_48 : vector<16xf32> to vector<16xf32>
    %swap3A_50 = vector.shape_cast %broadcast_in_dim3A_46 : vector<16xf32> to vector<16xf32>
    tpu.vector_store %arg7[%swap3A_47], %swap3A_50 {strides = array<i32>} : memref<128xf32, #tpu.memory_space<vmem>>, vector<16xf32>,
    %barrier3A = arith.constant 0 : index
    tpu.barrier barrier_id(%barrier3A)
    %while3A = arith.constant 0 : i32
    %while3A_51 = arith.constant 0 : i32
    %while3A_52 = arith.subi %select_n3A, %while3A_51 : i32
    %while3A_53 = arith.addi %while3A_51, %while3A_52 : i32
    %while3A_54 = arith.constant 1 : i32
    %while3A_55 = arith.divsi %while3A_52, %while3A_54 : i32
    %while3A_56 = arith.muli %while3A_55, %while3A_54 : i32
    %while3A_57 = arith.addi %while3A_51, %while3A_56 : i32
    %while3A_58 = arith.constant 1 : i32
    scf.for %while3A_65 = %while3A_51 to %while3A_57 step %while3A_58  : i32 {
      "tpu.region"() ({
        %run_scoped3A = tpu.sem_alloc : memref<!tpu.dma_semaphore, #tpu.memory_space<semaphore_mem>>
        %dma_start3A = arith.constant 0 : i32
        %dma_start3A_66 = tpu.memref_slice %arg5[%while3A_65, %dma_start3A] : memref<96x128xi32, #tpu.memory_space<vmem>> -> memref<1x128xi32, #tpu.memory_space<vmem>>
        %dma_start3A_67 = tpu.memref_squeeze %dma_start3A_66 : memref<1x128xi32, #tpu.memory_space<vmem>> -> memref<128xi32, #tpu.memory_space<vmem>>
        %dma_start3A_68 = arith.constant 0 : i32
        %dma_start3A_69 = tpu.memref_slice %arg9[%dma_start3A_68] : memref<10240xf32, #tpu.memory_space<vmem_shared>> -> memref<10240xf32, #tpu.memory_space<vmem_shared>>
        tpu.enqueue_indirect_dma source(%arg7 : memref<128xf32, #tpu.memory_space<vmem>>) target(%dma_start3A_69 : memref<10240xf32, #tpu.memory_space<vmem_shared>>) offsets(%dma_start3A_67 : memref<128xi32, #tpu.memory_space<vmem>>) semaphore(%run_scoped3A : memref<!tpu.dma_semaphore, #tpu.memory_space<semaphore_mem>>) {add = true}
        %dma_wait3A = arith.constant 0 : i32
        %dma_wait3A_70 = tpu.memref_slice %arg5[%while3A_65, %dma_wait3A] : memref<96x128xi32, #tpu.memory_space<vmem>> -> memref<1x128xi32, #tpu.memory_space<vmem>>
        %dma_wait3A_71 = tpu.memref_squeeze %dma_wait3A_70 : memref<1x128xi32, #tpu.memory_space<vmem>> -> memref<128xi32, #tpu.memory_space<vmem>>
        %dma_wait3A_72 = arith.constant 0 : i32
        %dma_wait3A_73 = tpu.memref_slice %arg9[%dma_wait3A_72] : memref<10240xf32, #tpu.memory_space<vmem_shared>> -> memref<10240xf32, #tpu.memory_space<vmem_shared>>
        tpu.wait_indirect_dma semaphore(%run_scoped3A : memref<!tpu.dma_semaphore, #tpu.memory_space<semaphore_mem>>) src(%arg7 : memref<128xf32, #tpu.memory_space<vmem>>) dst(%dma_wait3A_73 : memref<10240xf32, #tpu.memory_space<vmem_shared>>)
        tpu.yield
      }) : () -> ()
    }
    %while3A_59 = arith.constant 1 : i32
    scf.for %while3A_65 = %while3A_57 to %while3A_53 step %while3A_59  : i32 {
      "tpu.region"() ({
        %run_scoped3A = tpu.sem_alloc : memref<!tpu.dma_semaphore, #tpu.memory_space<semaphore_mem>>
        %dma_start3A = arith.constant 0 : i32
        %dma_start3A_66 = tpu.memref_slice %arg5[%while3A_65, %dma_start3A] : memref<96x128xi32, #tpu.memory_space<vmem>> -> memref<1x128xi32, #tpu.memory_space<vmem>>
        %dma_start3A_67 = tpu.memref_squeeze %dma_start3A_66 : memref<1x128xi32, #tpu.memory_space<vmem>> -> memref<128xi32, #tpu.memory_space<vmem>>
        %dma_start3A_68 = arith.constant 0 : i32
        %dma_start3A_69 = tpu.memref_slice %arg9[%dma_start3A_68] : memref<10240xf32, #tpu.memory_space<vmem_shared>> -> memref<10240xf32, #tpu.memory_space<vmem_shared>>
        tpu.enqueue_indirect_dma source(%arg7 : memref<128xf32, #tpu.memory_space<vmem>>) target(%dma_start3A_69 : memref<10240xf32, #tpu.memory_space<vmem_shared>>) offsets(%dma_start3A_67 : memref<128xi32, #tpu.memory_space<vmem>>) semaphore(%run_scoped3A : memref<!tpu.dma_semaphore, #tpu.memory_space<semaphore_mem>>) {add = true}
        %dma_wait3A = arith.constant 0 : i32
        %dma_wait3A_70 = tpu.memref_slice %arg5[%while3A_65, %dma_wait3A] : memref<96x128xi32, #tpu.memory_space<vmem>> -> memref<1x128xi32, #tpu.memory_space<vmem>>
        %dma_wait3A_71 = tpu.memref_squeeze %dma_wait3A_70 : memref<1x128xi32, #tpu.memory_space<vmem>> -> memref<128xi32, #tpu.memory_space<vmem>>
        %dma_wait3A_72 = arith.constant 0 : i32
        %dma_wait3A_73 = tpu.memref_slice %arg9[%dma_wait3A_72] : memref<10240xf32, #tpu.memory_space<vmem_shared>> -> memref<10240xf32, #tpu.memory_space<vmem_shared>>
        tpu.wait_indirect_dma semaphore(%run_scoped3A : memref<!tpu.dma_semaphore, #tpu.memory_space<semaphore_mem>>) src(%arg7 : memref<128xf32, #tpu.memory_space<vmem>>) dst(%dma_wait3A_73 : memref<10240xf32, #tpu.memory_space<vmem_shared>>)
        tpu.yield
      }) : () -> ()
    }
    %barrier3A_60 = arith.constant 0 : index
    tpu.barrier barrier_id(%barrier3A_60)
    %mul3A_61 = arith.constant 640 : i32
    %mul3A_62 = arith.muli %arg1, %mul3A_61 : i32
    "tpu.region"() ({
      %run_scoped3A = tpu.sem_alloc : memref<!tpu.dma_semaphore, #tpu.memory_space<semaphore_mem>>
      %dma_start3A = tpu.memref_slice %arg9[%mul3A_62] : memref<10240xf32, #tpu.memory_space<vmem_shared>> -> memref<640xf32, #tpu.memory_space<vmem_shared>>
      %dma_start3A_65 = tpu.memref_slice %arg9[%mul3A_62] : memref<10240xf32, #tpu.memory_space<vmem_shared>> -> memref<640xf32, #tpu.memory_space<vmem_shared>>
      tpu.enqueue_dma source(%dma_start3A_65 : memref<640xf32, #tpu.memory_space<vmem_shared>>) target(%arg8 : memref<640xf32, #tpu.memory_space<vmem>>) target_semaphore(%run_scoped3A : memref<!tpu.dma_semaphore, #tpu.memory_space<semaphore_mem>>)
      %dma_wait3A = tpu.memref_slice %arg9[%mul3A_62] : memref<10240xf32, #tpu.memory_space<vmem_shared>> -> memref<640xf32, #tpu.memory_space<vmem_shared>>
      %dma_wait3A_66 = tpu.memref_slice %arg9[%mul3A_62] : memref<10240xf32, #tpu.memory_space<vmem_shared>> -> memref<640xf32, #tpu.memory_space<vmem_shared>>
      tpu.wait_dma2 semaphore(%run_scoped3A : memref<!tpu.dma_semaphore, #tpu.memory_space<semaphore_mem>>) src(%dma_wait3A_66 : memref<640xf32, #tpu.memory_space<vmem_shared>>) dst(%arg8 : memref<640xf32, #tpu.memory_space<vmem>>)
      tpu.yield
    }) : () -> ()
    %mul3A_63 = arith.constant 640 : i32
    %mul3A_64 = arith.muli %arg1, %mul3A_63 : i32
    "tpu.region"() ({
      %run_scoped3A = tpu.sem_alloc : memref<!tpu.dma_semaphore, #tpu.memory_space<semaphore_mem>>
      %dma_start3A = tpu.memref_slice %arg4[%arg0, %mul3A_64] : memref<2x10240xf32, #tpu.memory_space<hbm>> -> memref<1x640xf32, #tpu.memory_space<hbm>>
      %dma_start3A_65 = tpu.memref_squeeze %dma_start3A : memref<1x640xf32, #tpu.memory_space<hbm>> -> memref<640xf32, #tpu.memory_space<hbm>>
      %dma_start3A_66 = tpu.memref_slice %arg4[%arg0, %mul3A_64] : memref<2x10240xf32, #tpu.memory_space<hbm>> -> memref<1x640xf32, #tpu.memory_space<hbm>>
      %dma_start3A_67 = tpu.memref_squeeze %dma_start3A_66 : memref<1x640xf32, #tpu.memory_space<hbm>> -> memref<640xf32, #tpu.memory_space<hbm>>
      tpu.enqueue_dma source(%arg8 : memref<640xf32, #tpu.memory_space<vmem>>) target(%dma_start3A_67 : memref<640xf32, #tpu.memory_space<hbm>>) target_semaphore(%run_scoped3A : memref<!tpu.dma_semaphore, #tpu.memory_space<semaphore_mem>>)
      %dma_wait3A = tpu.memref_slice %arg4[%arg0, %mul3A_64] : memref<2x10240xf32, #tpu.memory_space<hbm>> -> memref<1x640xf32, #tpu.memory_space<hbm>>
      %dma_wait3A_68 = tpu.memref_squeeze %dma_wait3A : memref<1x640xf32, #tpu.memory_space<hbm>> -> memref<640xf32, #tpu.memory_space<hbm>>
      %dma_wait3A_69 = tpu.memref_slice %arg4[%arg0, %mul3A_64] : memref<2x10240xf32, #tpu.memory_space<hbm>> -> memref<1x640xf32, #tpu.memory_space<hbm>>
      %dma_wait3A_70 = tpu.memref_squeeze %dma_wait3A_69 : memref<1x640xf32, #tpu.memory_space<hbm>> -> memref<640xf32, #tpu.memory_space<hbm>>
      tpu.wait_dma2 semaphore(%run_scoped3A : memref<!tpu.dma_semaphore, #tpu.memory_space<semaphore_mem>>) src(%arg8 : memref<640xf32, #tpu.memory_space<vmem>>) dst(%dma_wait3A_70 : memref<640xf32, #tpu.memory_space<hbm>>)
      tpu.yield
    }) : () -> ()
    return
  }
}

#map = affine_map<(d0, d1) -> (0, 0)>
#map1 = affine_map<(d0, d1) -> (0, 0, 0)>
module attributes {stable_mosaic.version = 14 : i64} {
  func.func @_scatter_body(%arg0: i32, %arg1: i32, %arg2: memref<10240x128xf32, #tpu.memory_space<hbm>>, %arg3: memref<32x96x128xi32, #tpu.memory_space<hbm>>, %arg4: memref<32x96x128xi32, #tpu.memory_space<hbm>>, %arg5: memref<128x128xf32, #tpu.memory_space<hbm>>, %arg6: memref<2x10240x128xf32, #tpu.memory_space<hbm>>, %arg7: memref<128xi32, #tpu.memory_space<vmem>>, %arg8: memref<128xi32, #tpu.memory_space<vmem>>, %arg9: memref<128xi32, #tpu.memory_space<vmem>>, %arg10: memref<128xi32, #tpu.memory_space<vmem>>, %arg11: memref<128x128xf32, #tpu.memory_space<vmem>>, %arg12: memref<128x128xf32, #tpu.memory_space<vmem>>, %arg13: memref<10240x128xf32, #tpu.memory_space<vmem_shared>>, %arg14: memref<!tpu.dma_semaphore, #tpu.memory_space<semaphore_mem>>, %arg15: memref<!tpu.dma_semaphore, #tpu.memory_space<semaphore_mem>>, %arg16: memref<!tpu.dma_semaphore, #tpu.memory_space<semaphore_mem>>, %arg17: memref<!tpu.dma_semaphore, #tpu.memory_space<semaphore_mem>>, %arg18: memref<!tpu.dma_semaphore, #tpu.memory_space<semaphore_mem>>, %arg19: memref<!tpu.dma_semaphore, #tpu.memory_space<semaphore_mem>>) attributes {dimension_semantics = [#tpu.dimension_semantics<core_parallel>, #tpu.dimension_semantics<subcore_parallel>], iteration_bounds = array<i64: 2, 16>, scalar_prefetch = 0 : i64, scratch_operands = 13 : i64, tpu.core_type = #tpu.core_type<sc_vector_subcore>, window_params = [{transform_indices = #map}, {transform_indices = #map1}, {transform_indices = #map1}, {transform_indices = #map}, {transform_indices = #map1}]} {
    %mul3A = arith.constant 16 : i32
    %mul3A_0 = arith.muli %arg0, %mul3A : i32
    %add3A = arith.addi %mul3A_0, %arg1 : i32
    %eq3A = arith.constant 0 : i32
    %eq3A_1 = arith.cmpi eq, %arg0, %eq3A : i32
    %jit3A = arith.constant 90 : i32
    %jit3A_2 = arith.constant 68 : i32
    %select_n3A = arith.select %eq3A_1, %jit3A, %jit3A_2 : i32
    %dma_start3A = arith.constant 0 : i32
    %dma_start3A_3 = arith.constant 0 : i32
    %dma_start3A_4 = arith.constant 0 : i32
    %dma_start3A_5 = tpu.memref_slice %arg3[%add3A, %dma_start3A_3, %dma_start3A_4] : memref<32x96x128xi32, #tpu.memory_space<hbm>> -> memref<1x96x128xi32, #tpu.memory_space<hbm>>
    %dma_start3A_6 = tpu.memref_squeeze %dma_start3A_5 : memref<1x96x128xi32, #tpu.memory_space<hbm>> -> memref<96x128xi32, #tpu.memory_space<hbm>>
    %dma_start3A_7 = arith.constant 0 : i32
    %dma_start3A_8 = tpu.memref_slice %dma_start3A_6[%dma_start3A, %dma_start3A_7] : memref<96x128xi32, #tpu.memory_space<hbm>> -> memref<1x128xi32, #tpu.memory_space<hbm>>
    %dma_start3A_9 = tpu.memref_squeeze %dma_start3A_8 : memref<1x128xi32, #tpu.memory_space<hbm>> -> memref<128xi32, #tpu.memory_space<hbm>>
    %dma_start3A_10 = arith.constant 0 : i32
    %dma_start3A_11 = arith.constant 0 : i32
    %dma_start3A_12 = tpu.memref_slice %arg3[%add3A, %dma_start3A_10, %dma_start3A_11] : memref<32x96x128xi32, #tpu.memory_space<hbm>> -> memref<1x96x128xi32, #tpu.memory_space<hbm>>
    %dma_start3A_13 = tpu.memref_squeeze %dma_start3A_12 : memref<1x96x128xi32, #tpu.memory_space<hbm>> -> memref<96x128xi32, #tpu.memory_space<hbm>>
    %dma_start3A_14 = arith.constant 0 : i32
    %dma_start3A_15 = tpu.memref_slice %dma_start3A_13[%dma_start3A, %dma_start3A_14] : memref<96x128xi32, #tpu.memory_space<hbm>> -> memref<1x128xi32, #tpu.memory_space<hbm>>
    %dma_start3A_16 = tpu.memref_squeeze %dma_start3A_15 : memref<1x128xi32, #tpu.memory_space<hbm>> -> memref<128xi32, #tpu.memory_space<hbm>>
    tpu.enqueue_dma source(%dma_start3A_16 : memref<128xi32, #tpu.memory_space<hbm>>) target(%arg7 : memref<128xi32, #tpu.memory_space<vmem>>) target_semaphore(%arg16 : memref<!tpu.dma_semaphore, #tpu.memory_space<semaphore_mem>>)
    %dma_start3A_17 = arith.constant 1 : i32
    %dma_start3A_18 = arith.constant 0 : i32
    %dma_start3A_19 = arith.constant 0 : i32
    %dma_start3A_20 = tpu.memref_slice %arg3[%add3A, %dma_start3A_18, %dma_start3A_19] : memref<32x96x128xi32, #tpu.memory_space<hbm>> -> memref<1x96x128xi32, #tpu.memory_space<hbm>>
    %dma_start3A_21 = tpu.memref_squeeze %dma_start3A_20 : memref<1x96x128xi32, #tpu.memory_space<hbm>> -> memref<96x128xi32, #tpu.memory_space<hbm>>
    %dma_start3A_22 = arith.constant 0 : i32
    %dma_start3A_23 = tpu.memref_slice %dma_start3A_21[%dma_start3A_17, %dma_start3A_22] : memref<96x128xi32, #tpu.memory_space<hbm>> -> memref<1x128xi32, #tpu.memory_space<hbm>>
    %dma_start3A_24 = tpu.memref_squeeze %dma_start3A_23 : memref<1x128xi32, #tpu.memory_space<hbm>> -> memref<128xi32, #tpu.memory_space<hbm>>
    %dma_start3A_25 = arith.constant 0 : i32
    %dma_start3A_26 = arith.constant 0 : i32
    %dma_start3A_27 = tpu.memref_slice %arg3[%add3A, %dma_start3A_25, %dma_start3A_26] : memref<32x96x128xi32, #tpu.memory_space<hbm>> -> memref<1x96x128xi32, #tpu.memory_space<hbm>>
    %dma_start3A_28 = tpu.memref_squeeze %dma_start3A_27 : memref<1x96x128xi32, #tpu.memory_space<hbm>> -> memref<96x128xi32, #tpu.memory_space<hbm>>
    %dma_start3A_29 = arith.constant 0 : i32
    %dma_start3A_30 = tpu.memref_slice %dma_start3A_28[%dma_start3A_17, %dma_start3A_29] : memref<96x128xi32, #tpu.memory_space<hbm>> -> memref<1x128xi32, #tpu.memory_space<hbm>>
    %dma_start3A_31 = tpu.memref_squeeze %dma_start3A_30 : memref<1x128xi32, #tpu.memory_space<hbm>> -> memref<128xi32, #tpu.memory_space<hbm>>
    tpu.enqueue_dma source(%dma_start3A_31 : memref<128xi32, #tpu.memory_space<hbm>>) target(%arg8 : memref<128xi32, #tpu.memory_space<vmem>>) target_semaphore(%arg17 : memref<!tpu.dma_semaphore, #tpu.memory_space<semaphore_mem>>)
    %dma_start3A_32 = arith.constant 0 : i32
    %dma_start3A_33 = arith.constant 0 : i32
    %dma_start3A_34 = arith.constant 0 : i32
    %dma_start3A_35 = tpu.memref_slice %arg4[%add3A, %dma_start3A_33, %dma_start3A_34] : memref<32x96x128xi32, #tpu.memory_space<hbm>> -> memref<1x96x128xi32, #tpu.memory_space<hbm>>
    %dma_start3A_36 = tpu.memref_squeeze %dma_start3A_35 : memref<1x96x128xi32, #tpu.memory_space<hbm>> -> memref<96x128xi32, #tpu.memory_space<hbm>>
    %dma_start3A_37 = arith.constant 0 : i32
    %dma_start3A_38 = tpu.memref_slice %dma_start3A_36[%dma_start3A_32, %dma_start3A_37] : memref<96x128xi32, #tpu.memory_space<hbm>> -> memref<1x128xi32, #tpu.memory_space<hbm>>
    %dma_start3A_39 = tpu.memref_squeeze %dma_start3A_38 : memref<1x128xi32, #tpu.memory_space<hbm>> -> memref<128xi32, #tpu.memory_space<hbm>>
    %dma_start3A_40 = arith.constant 0 : i32
    %dma_start3A_41 = arith.constant 0 : i32
    %dma_start3A_42 = tpu.memref_slice %arg4[%add3A, %dma_start3A_40, %dma_start3A_41] : memref<32x96x128xi32, #tpu.memory_space<hbm>> -> memref<1x96x128xi32, #tpu.memory_space<hbm>>
    %dma_start3A_43 = tpu.memref_squeeze %dma_start3A_42 : memref<1x96x128xi32, #tpu.memory_space<hbm>> -> memref<96x128xi32, #tpu.memory_space<hbm>>
    %dma_start3A_44 = arith.constant 0 : i32
    %dma_start3A_45 = tpu.memref_slice %dma_start3A_43[%dma_start3A_32, %dma_start3A_44] : memref<96x128xi32, #tpu.memory_space<hbm>> -> memref<1x128xi32, #tpu.memory_space<hbm>>
    %dma_start3A_46 = tpu.memref_squeeze %dma_start3A_45 : memref<1x128xi32, #tpu.memory_space<hbm>> -> memref<128xi32, #tpu.memory_space<hbm>>
    tpu.enqueue_dma source(%dma_start3A_46 : memref<128xi32, #tpu.memory_space<hbm>>) target(%arg9 : memref<128xi32, #tpu.memory_space<vmem>>) target_semaphore(%arg18 : memref<!tpu.dma_semaphore, #tpu.memory_space<semaphore_mem>>)
    %dma_start3A_47 = arith.constant 1 : i32
    %dma_start3A_48 = arith.constant 0 : i32
    %dma_start3A_49 = arith.constant 0 : i32
    %dma_start3A_50 = tpu.memref_slice %arg4[%add3A, %dma_start3A_48, %dma_start3A_49] : memref<32x96x128xi32, #tpu.memory_space<hbm>> -> memref<1x96x128xi32, #tpu.memory_space<hbm>>
    %dma_start3A_51 = tpu.memref_squeeze %dma_start3A_50 : memref<1x96x128xi32, #tpu.memory_space<hbm>> -> memref<96x128xi32, #tpu.memory_space<hbm>>
    %dma_start3A_52 = arith.constant 0 : i32
    %dma_start3A_53 = tpu.memref_slice %dma_start3A_51[%dma_start3A_47, %dma_start3A_52] : memref<96x128xi32, #tpu.memory_space<hbm>> -> memref<1x128xi32, #tpu.memory_space<hbm>>
    %dma_start3A_54 = tpu.memref_squeeze %dma_start3A_53 : memref<1x128xi32, #tpu.memory_space<hbm>> -> memref<128xi32, #tpu.memory_space<hbm>>
    %dma_start3A_55 = arith.constant 0 : i32
    %dma_start3A_56 = arith.constant 0 : i32
    %dma_start3A_57 = tpu.memref_slice %arg4[%add3A, %dma_start3A_55, %dma_start3A_56] : memref<32x96x128xi32, #tpu.memory_space<hbm>> -> memref<1x96x128xi32, #tpu.memory_space<hbm>>
    %dma_start3A_58 = tpu.memref_squeeze %dma_start3A_57 : memref<1x96x128xi32, #tpu.memory_space<hbm>> -> memref<96x128xi32, #tpu.memory_space<hbm>>
    %dma_start3A_59 = arith.constant 0 : i32
    %dma_start3A_60 = tpu.memref_slice %dma_start3A_58[%dma_start3A_47, %dma_start3A_59] : memref<96x128xi32, #tpu.memory_space<hbm>> -> memref<1x128xi32, #tpu.memory_space<hbm>>
    %dma_start3A_61 = tpu.memref_squeeze %dma_start3A_60 : memref<1x128xi32, #tpu.memory_space<hbm>> -> memref<128xi32, #tpu.memory_space<hbm>>
    tpu.enqueue_dma source(%dma_start3A_61 : memref<128xi32, #tpu.memory_space<hbm>>) target(%arg10 : memref<128xi32, #tpu.memory_space<vmem>>) target_semaphore(%arg19 : memref<!tpu.dma_semaphore, #tpu.memory_space<semaphore_mem>>)
    "tpu.region"() ({
      %run_scoped3A = tpu.sem_alloc : memref<!tpu.dma_semaphore, #tpu.memory_space<semaphore_mem>>
      tpu.enqueue_dma source(%arg5 : memref<128x128xf32, #tpu.memory_space<hbm>>) target(%arg11 : memref<128x128xf32, #tpu.memory_space<vmem>>) target_semaphore(%run_scoped3A : memref<!tpu.dma_semaphore, #tpu.memory_space<semaphore_mem>>)
      tpu.wait_dma2 semaphore(%run_scoped3A : memref<!tpu.dma_semaphore, #tpu.memory_space<semaphore_mem>>) src(%arg5 : memref<128x128xf32, #tpu.memory_space<hbm>>) dst(%arg11 : memref<128x128xf32, #tpu.memory_space<vmem>>)
      tpu.yield
    }) : () -> ()
    %mul3A_62 = arith.constant 640 : i32
    %mul3A_63 = arith.muli %arg1, %mul3A_62 : i32
    %add3A_64 = arith.constant 0 : i32
    %add3A_65 = arith.addi %mul3A_63, %add3A_64 : i32
    "tpu.region"() ({
      %run_scoped3A = tpu.sem_alloc : memref<!tpu.dma_semaphore, #tpu.memory_space<semaphore_mem>>
      %dma_start3A_221 = arith.constant 0 : i32
      %dma_start3A_222 = tpu.memref_slice %arg13[%add3A_65, %dma_start3A_221] : memref<10240x128xf32, #tpu.memory_space<vmem_shared>> -> memref<128x128xf32, #tpu.memory_space<vmem_shared>>
      %dma_start3A_223 = arith.constant 0 : i32
      %dma_start3A_224 = tpu.memref_slice %arg13[%add3A_65, %dma_start3A_223] : memref<10240x128xf32, #tpu.memory_space<vmem_shared>> -> memref<128x128xf32, #tpu.memory_space<vmem_shared>>
      tpu.enqueue_dma source(%arg11 : memref<128x128xf32, #tpu.memory_space<vmem>>) target(%dma_start3A_224 : memref<128x128xf32, #tpu.memory_space<vmem_shared>>) target_semaphore(%run_scoped3A : memref<!tpu.dma_semaphore, #tpu.memory_space<semaphore_mem>>)
      %dma_wait3A_225 = arith.constant 0 : i32
      %dma_wait3A_226 = tpu.memref_slice %arg13[%add3A_65, %dma_wait3A_225] : memref<10240x128xf32, #tpu.memory_space<vmem_shared>> -> memref<128x128xf32, #tpu.memory_space<vmem_shared>>
      %dma_wait3A_227 = arith.constant 0 : i32
      %dma_wait3A_228 = tpu.memref_slice %arg13[%add3A_65, %dma_wait3A_227] : memref<10240x128xf32, #tpu.memory_space<vmem_shared>> -> memref<128x128xf32, #tpu.memory_space<vmem_shared>>
      tpu.wait_dma2 semaphore(%run_scoped3A : memref<!tpu.dma_semaphore, #tpu.memory_space<semaphore_mem>>) src(%arg11 : memref<128x128xf32, #tpu.memory_space<vmem>>) dst(%dma_wait3A_228 : memref<128x128xf32, #tpu.memory_space<vmem_shared>>)
      tpu.yield
    }) : () -> ()
    %mul3A_66 = arith.constant 640 : i32
    %mul3A_67 = arith.muli %arg1, %mul3A_66 : i32
    %add3A_68 = arith.constant 128 : i32
    %add3A_69 = arith.addi %mul3A_67, %add3A_68 : i32
    "tpu.region"() ({
      %run_scoped3A = tpu.sem_alloc : memref<!tpu.dma_semaphore, #tpu.memory_space<semaphore_mem>>
      %dma_start3A_221 = arith.constant 0 : i32
      %dma_start3A_222 = tpu.memref_slice %arg13[%add3A_69, %dma_start3A_221] : memref<10240x128xf32, #tpu.memory_space<vmem_shared>> -> memref<128x128xf32, #tpu.memory_space<vmem_shared>>
      %dma_start3A_223 = arith.constant 0 : i32
      %dma_start3A_224 = tpu.memref_slice %arg13[%add3A_69, %dma_start3A_223] : memref<10240x128xf32, #tpu.memory_space<vmem_shared>> -> memref<128x128xf32, #tpu.memory_space<vmem_shared>>
      tpu.enqueue_dma source(%arg11 : memref<128x128xf32, #tpu.memory_space<vmem>>) target(%dma_start3A_224 : memref<128x128xf32, #tpu.memory_space<vmem_shared>>) target_semaphore(%run_scoped3A : memref<!tpu.dma_semaphore, #tpu.memory_space<semaphore_mem>>)
      %dma_wait3A_225 = arith.constant 0 : i32
      %dma_wait3A_226 = tpu.memref_slice %arg13[%add3A_69, %dma_wait3A_225] : memref<10240x128xf32, #tpu.memory_space<vmem_shared>> -> memref<128x128xf32, #tpu.memory_space<vmem_shared>>
      %dma_wait3A_227 = arith.constant 0 : i32
      %dma_wait3A_228 = tpu.memref_slice %arg13[%add3A_69, %dma_wait3A_227] : memref<10240x128xf32, #tpu.memory_space<vmem_shared>> -> memref<128x128xf32, #tpu.memory_space<vmem_shared>>
      tpu.wait_dma2 semaphore(%run_scoped3A : memref<!tpu.dma_semaphore, #tpu.memory_space<semaphore_mem>>) src(%arg11 : memref<128x128xf32, #tpu.memory_space<vmem>>) dst(%dma_wait3A_228 : memref<128x128xf32, #tpu.memory_space<vmem_shared>>)
      tpu.yield
    }) : () -> ()
    %mul3A_70 = arith.constant 640 : i32
    %mul3A_71 = arith.muli %arg1, %mul3A_70 : i32
    %add3A_72 = arith.constant 256 : i32
    %add3A_73 = arith.addi %mul3A_71, %add3A_72 : i32
    "tpu.region"() ({
      %run_scoped3A = tpu.sem_alloc : memref<!tpu.dma_semaphore, #tpu.memory_space<semaphore_mem>>
      %dma_start3A_221 = arith.constant 0 : i32
      %dma_start3A_222 = tpu.memref_slice %arg13[%add3A_73, %dma_start3A_221] : memref<10240x128xf32, #tpu.memory_space<vmem_shared>> -> memref<128x128xf32, #tpu.memory_space<vmem_shared>>
      %dma_start3A_223 = arith.constant 0 : i32
      %dma_start3A_224 = tpu.memref_slice %arg13[%add3A_73, %dma_start3A_223] : memref<10240x128xf32, #tpu.memory_space<vmem_shared>> -> memref<128x128xf32, #tpu.memory_space<vmem_shared>>
      tpu.enqueue_dma source(%arg11 : memref<128x128xf32, #tpu.memory_space<vmem>>) target(%dma_start3A_224 : memref<128x128xf32, #tpu.memory_space<vmem_shared>>) target_semaphore(%run_scoped3A : memref<!tpu.dma_semaphore, #tpu.memory_space<semaphore_mem>>)
      %dma_wait3A_225 = arith.constant 0 : i32
      %dma_wait3A_226 = tpu.memref_slice %arg13[%add3A_73, %dma_wait3A_225] : memref<10240x128xf32, #tpu.memory_space<vmem_shared>> -> memref<128x128xf32, #tpu.memory_space<vmem_shared>>
      %dma_wait3A_227 = arith.constant 0 : i32
      %dma_wait3A_228 = tpu.memref_slice %arg13[%add3A_73, %dma_wait3A_227] : memref<10240x128xf32, #tpu.memory_space<vmem_shared>> -> memref<128x128xf32, #tpu.memory_space<vmem_shared>>
      tpu.wait_dma2 semaphore(%run_scoped3A : memref<!tpu.dma_semaphore, #tpu.memory_space<semaphore_mem>>) src(%arg11 : memref<128x128xf32, #tpu.memory_space<vmem>>) dst(%dma_wait3A_228 : memref<128x128xf32, #tpu.memory_space<vmem_shared>>)
      tpu.yield
    }) : () -> ()
    %mul3A_74 = arith.constant 640 : i32
    %mul3A_75 = arith.muli %arg1, %mul3A_74 : i32
    %add3A_76 = arith.constant 384 : i32
    %add3A_77 = arith.addi %mul3A_75, %add3A_76 : i32
    "tpu.region"() ({
      %run_scoped3A = tpu.sem_alloc : memref<!tpu.dma_semaphore, #tpu.memory_space<semaphore_mem>>
      %dma_start3A_221 = arith.constant 0 : i32
      %dma_start3A_222 = tpu.memref_slice %arg13[%add3A_77, %dma_start3A_221] : memref<10240x128xf32, #tpu.memory_space<vmem_shared>> -> memref<128x128xf32, #tpu.memory_space<vmem_shared>>
      %dma_start3A_223 = arith.constant 0 : i32
      %dma_start3A_224 = tpu.memref_slice %arg13[%add3A_77, %dma_start3A_223] : memref<10240x128xf32, #tpu.memory_space<vmem_shared>> -> memref<128x128xf32, #tpu.memory_space<vmem_shared>>
      tpu.enqueue_dma source(%arg11 : memref<128x128xf32, #tpu.memory_space<vmem>>) target(%dma_start3A_224 : memref<128x128xf32, #tpu.memory_space<vmem_shared>>) target_semaphore(%run_scoped3A : memref<!tpu.dma_semaphore, #tpu.memory_space<semaphore_mem>>)
      %dma_wait3A_225 = arith.constant 0 : i32
      %dma_wait3A_226 = tpu.memref_slice %arg13[%add3A_77, %dma_wait3A_225] : memref<10240x128xf32, #tpu.memory_space<vmem_shared>> -> memref<128x128xf32, #tpu.memory_space<vmem_shared>>
      %dma_wait3A_227 = arith.constant 0 : i32
      %dma_wait3A_228 = tpu.memref_slice %arg13[%add3A_77, %dma_wait3A_227] : memref<10240x128xf32, #tpu.memory_space<vmem_shared>> -> memref<128x128xf32, #tpu.memory_space<vmem_shared>>
      tpu.wait_dma2 semaphore(%run_scoped3A : memref<!tpu.dma_semaphore, #tpu.memory_space<semaphore_mem>>) src(%arg11 : memref<128x128xf32, #tpu.memory_space<vmem>>) dst(%dma_wait3A_228 : memref<128x128xf32, #tpu.memory_space<vmem_shared>>)
      tpu.yield
    }) : () -> ()
    %mul3A_78 = arith.constant 640 : i32
    %mul3A_79 = arith.muli %arg1, %mul3A_78 : i32
    %add3A_80 = arith.constant 512 : i32
    %add3A_81 = arith.addi %mul3A_79, %add3A_80 : i32
    "tpu.region"() ({
      %run_scoped3A = tpu.sem_alloc : memref<!tpu.dma_semaphore, #tpu.memory_space<semaphore_mem>>
      %dma_start3A_221 = arith.constant 0 : i32
      %dma_start3A_222 = tpu.memref_slice %arg13[%add3A_81, %dma_start3A_221] : memref<10240x128xf32, #tpu.memory_space<vmem_shared>> -> memref<128x128xf32, #tpu.memory_space<vmem_shared>>
      %dma_start3A_223 = arith.constant 0 : i32
      %dma_start3A_224 = tpu.memref_slice %arg13[%add3A_81, %dma_start3A_223] : memref<10240x128xf32, #tpu.memory_space<vmem_shared>> -> memref<128x128xf32, #tpu.memory_space<vmem_shared>>
      tpu.enqueue_dma source(%arg11 : memref<128x128xf32, #tpu.memory_space<vmem>>) target(%dma_start3A_224 : memref<128x128xf32, #tpu.memory_space<vmem_shared>>) target_semaphore(%run_scoped3A : memref<!tpu.dma_semaphore, #tpu.memory_space<semaphore_mem>>)
      %dma_wait3A_225 = arith.constant 0 : i32
      %dma_wait3A_226 = tpu.memref_slice %arg13[%add3A_81, %dma_wait3A_225] : memref<10240x128xf32, #tpu.memory_space<vmem_shared>> -> memref<128x128xf32, #tpu.memory_space<vmem_shared>>
      %dma_wait3A_227 = arith.constant 0 : i32
      %dma_wait3A_228 = tpu.memref_slice %arg13[%add3A_81, %dma_wait3A_227] : memref<10240x128xf32, #tpu.memory_space<vmem_shared>> -> memref<128x128xf32, #tpu.memory_space<vmem_shared>>
      tpu.wait_dma2 semaphore(%run_scoped3A : memref<!tpu.dma_semaphore, #tpu.memory_space<semaphore_mem>>) src(%arg11 : memref<128x128xf32, #tpu.memory_space<vmem>>) dst(%dma_wait3A_228 : memref<128x128xf32, #tpu.memory_space<vmem_shared>>)
      tpu.yield
    }) : () -> ()
    %barrier3A = arith.constant 0 : index
    tpu.barrier barrier_id(%barrier3A)
    %dma_wait3A = arith.constant 0 : i32
    %dma_wait3A_82 = arith.constant 0 : i32
    %dma_wait3A_83 = arith.constant 0 : i32
    %dma_wait3A_84 = tpu.memref_slice %arg3[%add3A, %dma_wait3A_82, %dma_wait3A_83] : memref<32x96x128xi32, #tpu.memory_space<hbm>> -> memref<1x96x128xi32, #tpu.memory_space<hbm>>
    %dma_wait3A_85 = tpu.memref_squeeze %dma_wait3A_84 : memref<1x96x128xi32, #tpu.memory_space<hbm>> -> memref<96x128xi32, #tpu.memory_space<hbm>>
    %dma_wait3A_86 = arith.constant 0 : i32
    %dma_wait3A_87 = tpu.memref_slice %dma_wait3A_85[%dma_wait3A, %dma_wait3A_86] : memref<96x128xi32, #tpu.memory_space<hbm>> -> memref<1x128xi32, #tpu.memory_space<hbm>>
    %dma_wait3A_88 = tpu.memref_squeeze %dma_wait3A_87 : memref<1x128xi32, #tpu.memory_space<hbm>> -> memref<128xi32, #tpu.memory_space<hbm>>
    %dma_wait3A_89 = arith.constant 0 : i32
    %dma_wait3A_90 = arith.constant 0 : i32
    %dma_wait3A_91 = tpu.memref_slice %arg3[%add3A, %dma_wait3A_89, %dma_wait3A_90] : memref<32x96x128xi32, #tpu.memory_space<hbm>> -> memref<1x96x128xi32, #tpu.memory_space<hbm>>
    %dma_wait3A_92 = tpu.memref_squeeze %dma_wait3A_91 : memref<1x96x128xi32, #tpu.memory_space<hbm>> -> memref<96x128xi32, #tpu.memory_space<hbm>>
    %dma_wait3A_93 = arith.constant 0 : i32
    %dma_wait3A_94 = tpu.memref_slice %dma_wait3A_92[%dma_wait3A, %dma_wait3A_93] : memref<96x128xi32, #tpu.memory_space<hbm>> -> memref<1x128xi32, #tpu.memory_space<hbm>>
    %dma_wait3A_95 = tpu.memref_squeeze %dma_wait3A_94 : memref<1x128xi32, #tpu.memory_space<hbm>> -> memref<128xi32, #tpu.memory_space<hbm>>
    tpu.wait_dma2 semaphore(%arg16 : memref<!tpu.dma_semaphore, #tpu.memory_space<semaphore_mem>>) src(%dma_wait3A_95 : memref<128xi32, #tpu.memory_space<hbm>>) dst(%arg7 : memref<128xi32, #tpu.memory_space<vmem>>)
    %dma_start3A_96 = arith.constant 0 : i32
    %dma_start3A_97 = arith.constant 0 : i32
    %dma_start3A_98 = tpu.memref_slice %arg11[%dma_start3A_96, %dma_start3A_97] : memref<128x128xf32, #tpu.memory_space<vmem>> -> memref<128x128xf32, #tpu.memory_space<vmem>>
    %dma_start3A_99 = arith.constant 0 : i32
    %dma_start3A_100 = tpu.memref_slice %arg7[%dma_start3A_99] : memref<128xi32, #tpu.memory_space<vmem>> -> memref<128xi32, #tpu.memory_space<vmem>>
    %dma_start3A_101 = arith.constant 0 : i32
    %dma_start3A_102 = arith.constant 0 : i32
    %dma_start3A_103 = tpu.memref_slice %arg2[%dma_start3A_101, %dma_start3A_102] : memref<10240x128xf32, #tpu.memory_space<hbm>> -> memref<10240x128xf32, #tpu.memory_space<hbm>>
    tpu.enqueue_indirect_dma source(%dma_start3A_103 : memref<10240x128xf32, #tpu.memory_space<hbm>>) target(%dma_start3A_98 : memref<128x128xf32, #tpu.memory_space<vmem>>) offsets(%dma_start3A_100 : memref<128xi32, #tpu.memory_space<vmem>>) semaphore(%arg14 : memref<!tpu.dma_semaphore, #tpu.memory_space<semaphore_mem>>)
    %dma_wait3A_104 = arith.constant 1 : i32
    %dma_wait3A_105 = arith.constant 0 : i32
    %dma_wait3A_106 = arith.constant 0 : i32
    %dma_wait3A_107 = tpu.memref_slice %arg3[%add3A, %dma_wait3A_105, %dma_wait3A_106] : memref<32x96x128xi32, #tpu.memory_space<hbm>> -> memref<1x96x128xi32, #tpu.memory_space<hbm>>
    %dma_wait3A_108 = tpu.memref_squeeze %dma_wait3A_107 : memref<1x96x128xi32, #tpu.memory_space<hbm>> -> memref<96x128xi32, #tpu.memory_space<hbm>>
    %dma_wait3A_109 = arith.constant 0 : i32
    %dma_wait3A_110 = tpu.memref_slice %dma_wait3A_108[%dma_wait3A_104, %dma_wait3A_109] : memref<96x128xi32, #tpu.memory_space<hbm>> -> memref<1x128xi32, #tpu.memory_space<hbm>>
    %dma_wait3A_111 = tpu.memref_squeeze %dma_wait3A_110 : memref<1x128xi32, #tpu.memory_space<hbm>> -> memref<128xi32, #tpu.memory_space<hbm>>
    %dma_wait3A_112 = arith.constant 0 : i32
    %dma_wait3A_113 = arith.constant 0 : i32
    %dma_wait3A_114 = tpu.memref_slice %arg3[%add3A, %dma_wait3A_112, %dma_wait3A_113] : memref<32x96x128xi32, #tpu.memory_space<hbm>> -> memref<1x96x128xi32, #tpu.memory_space<hbm>>
    %dma_wait3A_115 = tpu.memref_squeeze %dma_wait3A_114 : memref<1x96x128xi32, #tpu.memory_space<hbm>> -> memref<96x128xi32, #tpu.memory_space<hbm>>
    %dma_wait3A_116 = arith.constant 0 : i32
    %dma_wait3A_117 = tpu.memref_slice %dma_wait3A_115[%dma_wait3A_104, %dma_wait3A_116] : memref<96x128xi32, #tpu.memory_space<hbm>> -> memref<1x128xi32, #tpu.memory_space<hbm>>
    %dma_wait3A_118 = tpu.memref_squeeze %dma_wait3A_117 : memref<1x128xi32, #tpu.memory_space<hbm>> -> memref<128xi32, #tpu.memory_space<hbm>>
    tpu.wait_dma2 semaphore(%arg17 : memref<!tpu.dma_semaphore, #tpu.memory_space<semaphore_mem>>) src(%dma_wait3A_118 : memref<128xi32, #tpu.memory_space<hbm>>) dst(%arg8 : memref<128xi32, #tpu.memory_space<vmem>>)
    %dma_start3A_119 = arith.constant 0 : i32
    %dma_start3A_120 = arith.constant 0 : i32
    %dma_start3A_121 = tpu.memref_slice %arg12[%dma_start3A_119, %dma_start3A_120] : memref<128x128xf32, #tpu.memory_space<vmem>> -> memref<128x128xf32, #tpu.memory_space<vmem>>
    %dma_start3A_122 = arith.constant 0 : i32
    %dma_start3A_123 = tpu.memref_slice %arg8[%dma_start3A_122] : memref<128xi32, #tpu.memory_space<vmem>> -> memref<128xi32, #tpu.memory_space<vmem>>
    %dma_start3A_124 = arith.constant 0 : i32
    %dma_start3A_125 = arith.constant 0 : i32
    %dma_start3A_126 = tpu.memref_slice %arg2[%dma_start3A_124, %dma_start3A_125] : memref<10240x128xf32, #tpu.memory_space<hbm>> -> memref<10240x128xf32, #tpu.memory_space<hbm>>
    tpu.enqueue_indirect_dma source(%dma_start3A_126 : memref<10240x128xf32, #tpu.memory_space<hbm>>) target(%dma_start3A_121 : memref<128x128xf32, #tpu.memory_space<vmem>>) offsets(%dma_start3A_123 : memref<128xi32, #tpu.memory_space<vmem>>) semaphore(%arg15 : memref<!tpu.dma_semaphore, #tpu.memory_space<semaphore_mem>>)
    %jit3A_127 = arith.constant 2 : i32
    %div3A = arith.divsi %select_n3A, %jit3A_127 : i32
    %sign3A = arith.constant 0 : i32
    %sign3A_128 = arith.cmpi sgt, %select_n3A, %sign3A : i32
    %sign3A_129 = arith.extui %sign3A_128 : i1 to i32
    %sign3A_130 = arith.constant 0 : i32
    %sign3A_131 = arith.cmpi slt, %select_n3A, %sign3A_130 : i32
    %sign3A_132 = arith.extui %sign3A_131 : i1 to i32
    %sign3A_133 = arith.subi %sign3A_129, %sign3A_132 : i32
    %sign3A_134 = arith.constant 0 : i32
    %sign3A_135 = arith.cmpi sgt, %jit3A_127, %sign3A_134 : i32
    %sign3A_136 = arith.extui %sign3A_135 : i1 to i32
    %sign3A_137 = arith.constant 0 : i32
    %sign3A_138 = arith.cmpi slt, %jit3A_127, %sign3A_137 : i32
    %sign3A_139 = arith.extui %sign3A_138 : i1 to i32
    %sign3A_140 = arith.subi %sign3A_136, %sign3A_139 : i32
    %ne3A = arith.cmpi ne, %sign3A_133, %sign3A_140 : i32
    %rem3A = arith.remsi %select_n3A, %jit3A_127 : i32
    %ne3A_141 = arith.constant 0 : i32
    %ne3A_142 = arith.cmpi ne, %rem3A, %ne3A_141 : i32
    %and3A = arith.andi %ne3A, %ne3A_142 : i1
    %sub3A = arith.constant 1 : i32
    %sub3A_143 = arith.subi %div3A, %sub3A : i32
    %select_n3A_144 = arith.select %and3A, %sub3A_143, %div3A : i32
    %while3A = arith.constant 0 : i32
    %while3A_145 = arith.constant 0 : i32
    %while3A_146 = arith.subi %select_n3A_144, %while3A_145 : i32
    %while3A_147 = arith.addi %while3A_145, %while3A_146 : i32
    %while3A_148 = arith.constant 1 : i32
    %while3A_149 = arith.divsi %while3A_146, %while3A_148 : i32
    %while3A_150 = arith.muli %while3A_149, %while3A_148 : i32
    %while3A_151 = arith.addi %while3A_145, %while3A_150 : i32
    %while3A_152 = arith.constant 1 : i32
    scf.for %while3A_221 = %while3A_145 to %while3A_151 step %while3A_152  : i32 {
      %mul3A_222 = arith.constant 2 : i32
      %mul3A_223 = arith.muli %mul3A_222, %while3A_221 : i32
      %add3A_224 = arith.constant 1 : i32
      %add3A_225 = arith.addi %mul3A_223, %add3A_224 : i32
      %dma_wait3A_226 = arith.constant 0 : i32
      %dma_wait3A_227 = arith.constant 0 : i32
      %dma_wait3A_228 = tpu.memref_slice %arg11[%dma_wait3A_226, %dma_wait3A_227] : memref<128x128xf32, #tpu.memory_space<vmem>> -> memref<128x128xf32, #tpu.memory_space<vmem>>
      %dma_wait3A_229 = arith.constant 0 : i32
      %dma_wait3A_230 = tpu.memref_slice %arg7[%dma_wait3A_229] : memref<128xi32, #tpu.memory_space<vmem>> -> memref<128xi32, #tpu.memory_space<vmem>>
      %dma_wait3A_231 = arith.constant 0 : i32
      %dma_wait3A_232 = arith.constant 0 : i32
      %dma_wait3A_233 = tpu.memref_slice %arg2[%dma_wait3A_231, %dma_wait3A_232] : memref<10240x128xf32, #tpu.memory_space<hbm>> -> memref<10240x128xf32, #tpu.memory_space<hbm>>
      tpu.wait_indirect_dma semaphore(%arg14 : memref<!tpu.dma_semaphore, #tpu.memory_space<semaphore_mem>>) src(%dma_wait3A_233 : memref<10240x128xf32, #tpu.memory_space<hbm>>) dst(%dma_wait3A_228 : memref<128x128xf32, #tpu.memory_space<vmem>>)
      %add3A_234 = arith.constant 2 : i32
      %add3A_235 = arith.addi %mul3A_223, %add3A_234 : i32
      %dma_start3A_236 = arith.constant 0 : i32
      %dma_start3A_237 = arith.constant 0 : i32
      %dma_start3A_238 = tpu.memref_slice %arg3[%add3A, %dma_start3A_236, %dma_start3A_237] : memref<32x96x128xi32, #tpu.memory_space<hbm>> -> memref<1x96x128xi32, #tpu.memory_space<hbm>>
      %dma_start3A_239 = tpu.memref_squeeze %dma_start3A_238 : memref<1x96x128xi32, #tpu.memory_space<hbm>> -> memref<96x128xi32, #tpu.memory_space<hbm>>
      %dma_start3A_240 = arith.constant 0 : i32
      %dma_start3A_241 = tpu.memref_slice %dma_start3A_239[%add3A_235, %dma_start3A_240] : memref<96x128xi32, #tpu.memory_space<hbm>> -> memref<1x128xi32, #tpu.memory_space<hbm>>
      %dma_start3A_242 = tpu.memref_squeeze %dma_start3A_241 : memref<1x128xi32, #tpu.memory_space<hbm>> -> memref<128xi32, #tpu.memory_space<hbm>>
      %dma_start3A_243 = arith.constant 0 : i32
      %dma_start3A_244 = arith.constant 0 : i32
      %dma_start3A_245 = tpu.memref_slice %arg3[%add3A, %dma_start3A_243, %dma_start3A_244] : memref<32x96x128xi32, #tpu.memory_space<hbm>> -> memref<1x96x128xi32, #tpu.memory_space<hbm>>
      %dma_start3A_246 = tpu.memref_squeeze %dma_start3A_245 : memref<1x96x128xi32, #tpu.memory_space<hbm>> -> memref<96x128xi32, #tpu.memory_space<hbm>>
      %dma_start3A_247 = arith.constant 0 : i32
      %dma_start3A_248 = tpu.memref_slice %dma_start3A_246[%add3A_235, %dma_start3A_247] : memref<96x128xi32, #tpu.memory_space<hbm>> -> memref<1x128xi32, #tpu.memory_space<hbm>>
      %dma_start3A_249 = tpu.memref_squeeze %dma_start3A_248 : memref<1x128xi32, #tpu.memory_space<hbm>> -> memref<128xi32, #tpu.memory_space<hbm>>
      tpu.enqueue_dma source(%dma_start3A_249 : memref<128xi32, #tpu.memory_space<hbm>>) target(%arg7 : memref<128xi32, #tpu.memory_space<vmem>>) target_semaphore(%arg16 : memref<!tpu.dma_semaphore, #tpu.memory_space<semaphore_mem>>)
      %dma_wait3A_250 = arith.constant 0 : i32
      %dma_wait3A_251 = arith.constant 0 : i32
      %dma_wait3A_252 = tpu.memref_slice %arg4[%add3A, %dma_wait3A_250, %dma_wait3A_251] : memref<32x96x128xi32, #tpu.memory_space<hbm>> -> memref<1x96x128xi32, #tpu.memory_space<hbm>>
      %dma_wait3A_253 = tpu.memref_squeeze %dma_wait3A_252 : memref<1x96x128xi32, #tpu.memory_space<hbm>> -> memref<96x128xi32, #tpu.memory_space<hbm>>
      %dma_wait3A_254 = arith.constant 0 : i32
      %dma_wait3A_255 = tpu.memref_slice %dma_wait3A_253[%mul3A_223, %dma_wait3A_254] : memref<96x128xi32, #tpu.memory_space<hbm>> -> memref<1x128xi32, #tpu.memory_space<hbm>>
      %dma_wait3A_256 = tpu.memref_squeeze %dma_wait3A_255 : memref<1x128xi32, #tpu.memory_space<hbm>> -> memref<128xi32, #tpu.memory_space<hbm>>
      %dma_wait3A_257 = arith.constant 0 : i32
      %dma_wait3A_258 = arith.constant 0 : i32
      %dma_wait3A_259 = tpu.memref_slice %arg4[%add3A, %dma_wait3A_257, %dma_wait3A_258] : memref<32x96x128xi32, #tpu.memory_space<hbm>> -> memref<1x96x128xi32, #tpu.memory_space<hbm>>
      %dma_wait3A_260 = tpu.memref_squeeze %dma_wait3A_259 : memref<1x96x128xi32, #tpu.memory_space<hbm>> -> memref<96x128xi32, #tpu.memory_space<hbm>>
      %dma_wait3A_261 = arith.constant 0 : i32
      %dma_wait3A_262 = tpu.memref_slice %dma_wait3A_260[%mul3A_223, %dma_wait3A_261] : memref<96x128xi32, #tpu.memory_space<hbm>> -> memref<1x128xi32, #tpu.memory_space<hbm>>
      %dma_wait3A_263 = tpu.memref_squeeze %dma_wait3A_262 : memref<1x128xi32, #tpu.memory_space<hbm>> -> memref<128xi32, #tpu.memory_space<hbm>>
      tpu.wait_dma2 semaphore(%arg18 : memref<!tpu.dma_semaphore, #tpu.memory_space<semaphore_mem>>) src(%dma_wait3A_263 : memref<128xi32, #tpu.memory_space<hbm>>) dst(%arg9 : memref<128xi32, #tpu.memory_space<vmem>>)
      "tpu.region"() ({
        %run_scoped3A = tpu.sem_alloc : memref<!tpu.dma_semaphore, #tpu.memory_space<semaphore_mem>>
        %dma_start3A_382 = arith.constant 0 : i32
        %dma_start3A_383 = arith.constant 0 : i32
        %dma_start3A_384 = tpu.memref_slice %arg13[%dma_start3A_382, %dma_start3A_383] : memref<10240x128xf32, #tpu.memory_space<vmem_shared>> -> memref<10240x128xf32, #tpu.memory_space<vmem_shared>>
        tpu.enqueue_indirect_dma source(%arg11 : memref<128x128xf32, #tpu.memory_space<vmem>>) target(%dma_start3A_384 : memref<10240x128xf32, #tpu.memory_space<vmem_shared>>) offsets(%arg9 : memref<128xi32, #tpu.memory_space<vmem>>) semaphore(%run_scoped3A : memref<!tpu.dma_semaphore, #tpu.memory_space<semaphore_mem>>) {add = true}
        %dma_wait3A_385 = arith.constant 0 : i32
        %dma_wait3A_386 = arith.constant 0 : i32
        %dma_wait3A_387 = tpu.memref_slice %arg13[%dma_wait3A_385, %dma_wait3A_386] : memref<10240x128xf32, #tpu.memory_space<vmem_shared>> -> memref<10240x128xf32, #tpu.memory_space<vmem_shared>>
        tpu.wait_indirect_dma semaphore(%run_scoped3A : memref<!tpu.dma_semaphore, #tpu.memory_space<semaphore_mem>>) src(%arg11 : memref<128x128xf32, #tpu.memory_space<vmem>>) dst(%dma_wait3A_387 : memref<10240x128xf32, #tpu.memory_space<vmem_shared>>)
        tpu.yield
      }) : () -> ()
      %add3A_264 = arith.constant 2 : i32
      %add3A_265 = arith.addi %mul3A_223, %add3A_264 : i32
      %dma_wait3A_266 = arith.constant 0 : i32
      %dma_wait3A_267 = arith.constant 0 : i32
      %dma_wait3A_268 = tpu.memref_slice %arg3[%add3A, %dma_wait3A_266, %dma_wait3A_267] : memref<32x96x128xi32, #tpu.memory_space<hbm>> -> memref<1x96x128xi32, #tpu.memory_space<hbm>>
      %dma_wait3A_269 = tpu.memref_squeeze %dma_wait3A_268 : memref<1x96x128xi32, #tpu.memory_space<hbm>> -> memref<96x128xi32, #tpu.memory_space<hbm>>
      %dma_wait3A_270 = arith.constant 0 : i32
      %dma_wait3A_271 = tpu.memref_slice %dma_wait3A_269[%add3A_265, %dma_wait3A_270] : memref<96x128xi32, #tpu.memory_space<hbm>> -> memref<1x128xi32, #tpu.memory_space<hbm>>
      %dma_wait3A_272 = tpu.memref_squeeze %dma_wait3A_271 : memref<1x128xi32, #tpu.memory_space<hbm>> -> memref<128xi32, #tpu.memory_space<hbm>>
      %dma_wait3A_273 = arith.constant 0 : i32
      %dma_wait3A_274 = arith.constant 0 : i32
      %dma_wait3A_275 = tpu.memref_slice %arg3[%add3A, %dma_wait3A_273, %dma_wait3A_274] : memref<32x96x128xi32, #tpu.memory_space<hbm>> -> memref<1x96x128xi32, #tpu.memory_space<hbm>>
      %dma_wait3A_276 = tpu.memref_squeeze %dma_wait3A_275 : memref<1x96x128xi32, #tpu.memory_space<hbm>> -> memref<96x128xi32, #tpu.memory_space<hbm>>
      %dma_wait3A_277 = arith.constant 0 : i32
      %dma_wait3A_278 = tpu.memref_slice %dma_wait3A_276[%add3A_265, %dma_wait3A_277] : memref<96x128xi32, #tpu.memory_space<hbm>> -> memref<1x128xi32, #tpu.memory_space<hbm>>
      %dma_wait3A_279 = tpu.memref_squeeze %dma_wait3A_278 : memref<1x128xi32, #tpu.memory_space<hbm>> -> memref<128xi32, #tpu.memory_space<hbm>>
      tpu.wait_dma2 semaphore(%arg16 : memref<!tpu.dma_semaphore, #tpu.memory_space<semaphore_mem>>) src(%dma_wait3A_279 : memref<128xi32, #tpu.memory_space<hbm>>) dst(%arg7 : memref<128xi32, #tpu.memory_space<vmem>>)
      %dma_start3A_280 = arith.constant 0 : i32
      %dma_start3A_281 = arith.constant 0 : i32
      %dma_start3A_282 = tpu.memref_slice %arg11[%dma_start3A_280, %dma_start3A_281] : memref<128x128xf32, #tpu.memory_space<vmem>> -> memref<128x128xf32, #tpu.memory_space<vmem>>
      %dma_start3A_283 = arith.constant 0 : i32
      %dma_start3A_284 = tpu.memref_slice %arg7[%dma_start3A_283] : memref<128xi32, #tpu.memory_space<vmem>> -> memref<128xi32, #tpu.memory_space<vmem>>
      %dma_start3A_285 = arith.constant 0 : i32
      %dma_start3A_286 = arith.constant 0 : i32
      %dma_start3A_287 = tpu.memref_slice %arg2[%dma_start3A_285, %dma_start3A_286] : memref<10240x128xf32, #tpu.memory_space<hbm>> -> memref<10240x128xf32, #tpu.memory_space<hbm>>
      tpu.enqueue_indirect_dma source(%dma_start3A_287 : memref<10240x128xf32, #tpu.memory_space<hbm>>) target(%dma_start3A_282 : memref<128x128xf32, #tpu.memory_space<vmem>>) offsets(%dma_start3A_284 : memref<128xi32, #tpu.memory_space<vmem>>) semaphore(%arg14 : memref<!tpu.dma_semaphore, #tpu.memory_space<semaphore_mem>>)
      %add3A_288 = arith.constant 2 : i32
      %add3A_289 = arith.addi %mul3A_223, %add3A_288 : i32
      %dma_start3A_290 = arith.constant 0 : i32
      %dma_start3A_291 = arith.constant 0 : i32
      %dma_start3A_292 = tpu.memref_slice %arg4[%add3A, %dma_start3A_290, %dma_start3A_291] : memref<32x96x128xi32, #tpu.memory_space<hbm>> -> memref<1x96x128xi32, #tpu.memory_space<hbm>>
      %dma_start3A_293 = tpu.memref_squeeze %dma_start3A_292 : memref<1x96x128xi32, #tpu.memory_space<hbm>> -> memref<96x128xi32, #tpu.memory_space<hbm>>
      %dma_start3A_294 = arith.constant 0 : i32
      %dma_start3A_295 = tpu.memref_slice %dma_start3A_293[%add3A_289, %dma_start3A_294] : memref<96x128xi32, #tpu.memory_space<hbm>> -> memref<1x128xi32, #tpu.memory_space<hbm>>
      %dma_start3A_296 = tpu.memref_squeeze %dma_start3A_295 : memref<1x128xi32, #tpu.memory_space<hbm>> -> memref<128xi32, #tpu.memory_space<hbm>>
      %dma_start3A_297 = arith.constant 0 : i32
      %dma_start3A_298 = arith.constant 0 : i32
      %dma_start3A_299 = tpu.memref_slice %arg4[%add3A, %dma_start3A_297, %dma_start3A_298] : memref<32x96x128xi32, #tpu.memory_space<hbm>> -> memref<1x96x128xi32, #tpu.memory_space<hbm>>
      %dma_start3A_300 = tpu.memref_squeeze %dma_start3A_299 : memref<1x96x128xi32, #tpu.memory_space<hbm>> -> memref<96x128xi32, #tpu.memory_space<hbm>>
      %dma_start3A_301 = arith.constant 0 : i32
      %dma_start3A_302 = tpu.memref_slice %dma_start3A_300[%add3A_289, %dma_start3A_301] : memref<96x128xi32, #tpu.memory_space<hbm>> -> memref<1x128xi32, #tpu.memory_space<hbm>>
      %dma_start3A_303 = tpu.memref_squeeze %dma_start3A_302 : memref<1x128xi32, #tpu.memory_space<hbm>> -> memref<128xi32, #tpu.memory_space<hbm>>
      tpu.enqueue_dma source(%dma_start3A_303 : memref<128xi32, #tpu.memory_space<hbm>>) target(%arg9 : memref<128xi32, #tpu.memory_space<vmem>>) target_semaphore(%arg18 : memref<!tpu.dma_semaphore, #tpu.memory_space<semaphore_mem>>)
      %dma_wait3A_304 = arith.constant 0 : i32
      %dma_wait3A_305 = arith.constant 0 : i32
      %dma_wait3A_306 = tpu.memref_slice %arg12[%dma_wait3A_304, %dma_wait3A_305] : memref<128x128xf32, #tpu.memory_space<vmem>> -> memref<128x128xf32, #tpu.memory_space<vmem>>
      %dma_wait3A_307 = arith.constant 0 : i32
      %dma_wait3A_308 = tpu.memref_slice %arg8[%dma_wait3A_307] : memref<128xi32, #tpu.memory_space<vmem>> -> memref<128xi32, #tpu.memory_space<vmem>>
      %dma_wait3A_309 = arith.constant 0 : i32
      %dma_wait3A_310 = arith.constant 0 : i32
      %dma_wait3A_311 = tpu.memref_slice %arg2[%dma_wait3A_309, %dma_wait3A_310] : memref<10240x128xf32, #tpu.memory_space<hbm>> -> memref<10240x128xf32, #tpu.memory_space<hbm>>
      tpu.wait_indirect_dma semaphore(%arg15 : memref<!tpu.dma_semaphore, #tpu.memory_space<semaphore_mem>>) src(%dma_wait3A_311 : memref<10240x128xf32, #tpu.memory_space<hbm>>) dst(%dma_wait3A_306 : memref<128x128xf32, #tpu.memory_space<vmem>>)
      %add3A_312 = arith.constant 2 : i32
      %add3A_313 = arith.addi %add3A_225, %add3A_312 : i32
      %dma_start3A_314 = arith.constant 0 : i32
      %dma_start3A_315 = arith.constant 0 : i32
      %dma_start3A_316 = tpu.memref_slice %arg3[%add3A, %dma_start3A_314, %dma_start3A_315] : memref<32x96x128xi32, #tpu.memory_space<hbm>> -> memref<1x96x128xi32, #tpu.memory_space<hbm>>
      %dma_start3A_317 = tpu.memref_squeeze %dma_start3A_316 : memref<1x96x128xi32, #tpu.memory_space<hbm>> -> memref<96x128xi32, #tpu.memory_space<hbm>>
      %dma_start3A_318 = arith.constant 0 : i32
      %dma_start3A_319 = tpu.memref_slice %dma_start3A_317[%add3A_313, %dma_start3A_318] : memref<96x128xi32, #tpu.memory_space<hbm>> -> memref<1x128xi32, #tpu.memory_space<hbm>>
      %dma_start3A_320 = tpu.memref_squeeze %dma_start3A_319 : memref<1x128xi32, #tpu.memory_space<hbm>> -> memref<128xi32, #tpu.memory_space<hbm>>
      %dma_start3A_321 = arith.constant 0 : i32
      %dma_start3A_322 = arith.constant 0 : i32
      %dma_start3A_323 = tpu.memref_slice %arg3[%add3A, %dma_start3A_321, %dma_start3A_322] : memref<32x96x128xi32, #tpu.memory_space<hbm>> -> memref<1x96x128xi32, #tpu.memory_space<hbm>>
      %dma_start3A_324 = tpu.memref_squeeze %dma_start3A_323 : memref<1x96x128xi32, #tpu.memory_space<hbm>> -> memref<96x128xi32, #tpu.memory_space<hbm>>
      %dma_start3A_325 = arith.constant 0 : i32
      %dma_start3A_326 = tpu.memref_slice %dma_start3A_324[%add3A_313, %dma_start3A_325] : memref<96x128xi32, #tpu.memory_space<hbm>> -> memref<1x128xi32, #tpu.memory_space<hbm>>
      %dma_start3A_327 = tpu.memref_squeeze %dma_start3A_326 : memref<1x128xi32, #tpu.memory_space<hbm>> -> memref<128xi32, #tpu.memory_space<hbm>>
      tpu.enqueue_dma source(%dma_start3A_327 : memref<128xi32, #tpu.memory_space<hbm>>) target(%arg8 : memref<128xi32, #tpu.memory_space<vmem>>) target_semaphore(%arg17 : memref<!tpu.dma_semaphore, #tpu.memory_space<semaphore_mem>>)
      %dma_wait3A_328 = arith.constant 0 : i32
      %dma_wait3A_329 = arith.constant 0 : i32
      %dma_wait3A_330 = tpu.memref_slice %arg4[%add3A, %dma_wait3A_328, %dma_wait3A_329] : memref<32x96x128xi32, #tpu.memory_space<hbm>> -> memref<1x96x128xi32, #tpu.memory_space<hbm>>
      %dma_wait3A_331 = tpu.memref_squeeze %dma_wait3A_330 : memref<1x96x128xi32, #tpu.memory_space<hbm>> -> memref<96x128xi32, #tpu.memory_space<hbm>>
      %dma_wait3A_332 = arith.constant 0 : i32
      %dma_wait3A_333 = tpu.memref_slice %dma_wait3A_331[%add3A_225, %dma_wait3A_332] : memref<96x128xi32, #tpu.memory_space<hbm>> -> memref<1x128xi32, #tpu.memory_space<hbm>>
      %dma_wait3A_334 = tpu.memref_squeeze %dma_wait3A_333 : memref<1x128xi32, #tpu.memory_space<hbm>> -> memref<128xi32, #tpu.memory_space<hbm>>
      %dma_wait3A_335 = arith.constant 0 : i32
      %dma_wait3A_336 = arith.constant 0 : i32
      %dma_wait3A_337 = tpu.memref_slice %arg4[%add3A, %dma_wait3A_335, %dma_wait3A_336] : memref<32x96x128xi32, #tpu.memory_space<hbm>> -> memref<1x96x128xi32, #tpu.memory_space<hbm>>
      %dma_wait3A_338 = tpu.memref_squeeze %dma_wait3A_337 : memref<1x96x128xi32, #tpu.memory_space<hbm>> -> memref<96x128xi32, #tpu.memory_space<hbm>>
      %dma_wait3A_339 = arith.constant 0 : i32
      %dma_wait3A_340 = tpu.memref_slice %dma_wait3A_338[%add3A_225, %dma_wait3A_339] : memref<96x128xi32, #tpu.memory_space<hbm>> -> memref<1x128xi32, #tpu.memory_space<hbm>>
      %dma_wait3A_341 = tpu.memref_squeeze %dma_wait3A_340 : memref<1x128xi32, #tpu.memory_space<hbm>> -> memref<128xi32, #tpu.memory_space<hbm>>
      tpu.wait_dma2 semaphore(%arg19 : memref<!tpu.dma_semaphore, #tpu.memory_space<semaphore_mem>>) src(%dma_wait3A_341 : memref<128xi32, #tpu.memory_space<hbm>>) dst(%arg10 : memref<128xi32, #tpu.memory_space<vmem>>)
      "tpu.region"() ({
        %run_scoped3A = tpu.sem_alloc : memref<!tpu.dma_semaphore, #tpu.memory_space<semaphore_mem>>
        %dma_start3A_382 = arith.constant 0 : i32
        %dma_start3A_383 = arith.constant 0 : i32
        %dma_start3A_384 = tpu.memref_slice %arg13[%dma_start3A_382, %dma_start3A_383] : memref<10240x128xf32, #tpu.memory_space<vmem_shared>> -> memref<10240x128xf32, #tpu.memory_space<vmem_shared>>
        tpu.enqueue_indirect_dma source(%arg12 : memref<128x128xf32, #tpu.memory_space<vmem>>) target(%dma_start3A_384 : memref<10240x128xf32, #tpu.memory_space<vmem_shared>>) offsets(%arg10 : memref<128xi32, #tpu.memory_space<vmem>>) semaphore(%run_scoped3A : memref<!tpu.dma_semaphore, #tpu.memory_space<semaphore_mem>>) {add = true}
        %dma_wait3A_385 = arith.constant 0 : i32
        %dma_wait3A_386 = arith.constant 0 : i32
        %dma_wait3A_387 = tpu.memref_slice %arg13[%dma_wait3A_385, %dma_wait3A_386] : memref<10240x128xf32, #tpu.memory_space<vmem_shared>> -> memref<10240x128xf32, #tpu.memory_space<vmem_shared>>
        tpu.wait_indirect_dma semaphore(%run_scoped3A : memref<!tpu.dma_semaphore, #tpu.memory_space<semaphore_mem>>) src(%arg12 : memref<128x128xf32, #tpu.memory_space<vmem>>) dst(%dma_wait3A_387 : memref<10240x128xf32, #tpu.memory_space<vmem_shared>>)
        tpu.yield
      }) : () -> ()
      %add3A_342 = arith.constant 2 : i32
      %add3A_343 = arith.addi %add3A_225, %add3A_342 : i32
      %dma_wait3A_344 = arith.constant 0 : i32
      %dma_wait3A_345 = arith.constant 0 : i32
      %dma_wait3A_346 = tpu.memref_slice %arg3[%add3A, %dma_wait3A_344, %dma_wait3A_345] : memref<32x96x128xi32, #tpu.memory_space<hbm>> -> memref<1x96x128xi32, #tpu.memory_space<hbm>>
      %dma_wait3A_347 = tpu.memref_squeeze %dma_wait3A_346 : memref<1x96x128xi32, #tpu.memory_space<hbm>> -> memref<96x128xi32, #tpu.memory_space<hbm>>
      %dma_wait3A_348 = arith.constant 0 : i32
      %dma_wait3A_349 = tpu.memref_slice %dma_wait3A_347[%add3A_343, %dma_wait3A_348] : memref<96x128xi32, #tpu.memory_space<hbm>> -> memref<1x128xi32, #tpu.memory_space<hbm>>
      %dma_wait3A_350 = tpu.memref_squeeze %dma_wait3A_349 : memref<1x128xi32, #tpu.memory_space<hbm>> -> memref<128xi32, #tpu.memory_space<hbm>>
      %dma_wait3A_351 = arith.constant 0 : i32
      %dma_wait3A_352 = arith.constant 0 : i32
      %dma_wait3A_353 = tpu.memref_slice %arg3[%add3A, %dma_wait3A_351, %dma_wait3A_352] : memref<32x96x128xi32, #tpu.memory_space<hbm>> -> memref<1x96x128xi32, #tpu.memory_space<hbm>>
      %dma_wait3A_354 = tpu.memref_squeeze %dma_wait3A_353 : memref<1x96x128xi32, #tpu.memory_space<hbm>> -> memref<96x128xi32, #tpu.memory_space<hbm>>
      %dma_wait3A_355 = arith.constant 0 : i32
      %dma_wait3A_356 = tpu.memref_slice %dma_wait3A_354[%add3A_343, %dma_wait3A_355] : memref<96x128xi32, #tpu.memory_space<hbm>> -> memref<1x128xi32, #tpu.memory_space<hbm>>
      %dma_wait3A_357 = tpu.memref_squeeze %dma_wait3A_356 : memref<1x128xi32, #tpu.memory_space<hbm>> -> memref<128xi32, #tpu.memory_space<hbm>>
      tpu.wait_dma2 semaphore(%arg17 : memref<!tpu.dma_semaphore, #tpu.memory_space<semaphore_mem>>) src(%dma_wait3A_357 : memref<128xi32, #tpu.memory_space<hbm>>) dst(%arg8 : memref<128xi32, #tpu.memory_space<vmem>>)
      %dma_start3A_358 = arith.constant 0 : i32
      %dma_start3A_359 = arith.constant 0 : i32
      %dma_start3A_360 = tpu.memref_slice %arg12[%dma_start3A_358, %dma_start3A_359] : memref<128x128xf32, #tpu.memory_space<vmem>> -> memref<128x128xf32, #tpu.memory_space<vmem>>
      %dma_start3A_361 = arith.constant 0 : i32
      %dma_start3A_362 = tpu.memref_slice %arg8[%dma_start3A_361] : memref<128xi32, #tpu.memory_space<vmem>> -> memref<128xi32, #tpu.memory_space<vmem>>
      %dma_start3A_363 = arith.constant 0 : i32
      %dma_start3A_364 = arith.constant 0 : i32
      %dma_start3A_365 = tpu.memref_slice %arg2[%dma_start3A_363, %dma_start3A_364] : memref<10240x128xf32, #tpu.memory_space<hbm>> -> memref<10240x128xf32, #tpu.memory_space<hbm>>
      tpu.enqueue_indirect_dma source(%dma_start3A_365 : memref<10240x128xf32, #tpu.memory_space<hbm>>) target(%dma_start3A_360 : memref<128x128xf32, #tpu.memory_space<vmem>>) offsets(%dma_start3A_362 : memref<128xi32, #tpu.memory_space<vmem>>) semaphore(%arg15 : memref<!tpu.dma_semaphore, #tpu.memory_space<semaphore_mem>>)
      %add3A_366 = arith.constant 2 : i32
      %add3A_367 = arith.addi %add3A_225, %add3A_366 : i32
      %dma_start3A_368 = arith.constant 0 : i32
      %dma_start3A_369 = arith.constant 0 : i32
      %dma_start3A_370 = tpu.memref_slice %arg4[%add3A, %dma_start3A_368, %dma_start3A_369] : memref<32x96x128xi32, #tpu.memory_space<hbm>> -> memref<1x96x128xi32, #tpu.memory_space<hbm>>
      %dma_start3A_371 = tpu.memref_squeeze %dma_start3A_370 : memref<1x96x128xi32, #tpu.memory_space<hbm>> -> memref<96x128xi32, #tpu.memory_space<hbm>>
      %dma_start3A_372 = arith.constant 0 : i32
      %dma_start3A_373 = tpu.memref_slice %dma_start3A_371[%add3A_367, %dma_start3A_372] : memref<96x128xi32, #tpu.memory_space<hbm>> -> memref<1x128xi32, #tpu.memory_space<hbm>>
      %dma_start3A_374 = tpu.memref_squeeze %dma_start3A_373 : memref<1x128xi32, #tpu.memory_space<hbm>> -> memref<128xi32, #tpu.memory_space<hbm>>
      %dma_start3A_375 = arith.constant 0 : i32
      %dma_start3A_376 = arith.constant 0 : i32
      %dma_start3A_377 = tpu.memref_slice %arg4[%add3A, %dma_start3A_375, %dma_start3A_376] : memref<32x96x128xi32, #tpu.memory_space<hbm>> -> memref<1x96x128xi32, #tpu.memory_space<hbm>>
      %dma_start3A_378 = tpu.memref_squeeze %dma_start3A_377 : memref<1x96x128xi32, #tpu.memory_space<hbm>> -> memref<96x128xi32, #tpu.memory_space<hbm>>
      %dma_start3A_379 = arith.constant 0 : i32
      %dma_start3A_380 = tpu.memref_slice %dma_start3A_378[%add3A_367, %dma_start3A_379] : memref<96x128xi32, #tpu.memory_space<hbm>> -> memref<1x128xi32, #tpu.memory_space<hbm>>
      %dma_start3A_381 = tpu.memref_squeeze %dma_start3A_380 : memref<1x128xi32, #tpu.memory_space<hbm>> -> memref<128xi32, #tpu.memory_space<hbm>>
      tpu.enqueue_dma source(%dma_start3A_381 : memref<128xi32, #tpu.memory_space<hbm>>) target(%arg10 : memref<128xi32, #tpu.memory_space<vmem>>) target_semaphore(%arg19 : memref<!tpu.dma_semaphore, #tpu.memory_space<semaphore_mem>>)
    }
    %while3A_153 = arith.constant 1 : i32
    scf.for %while3A_221 = %while3A_151 to %while3A_147 step %while3A_153  : i32 {
      %mul3A_222 = arith.constant 2 : i32
      %mul3A_223 = arith.muli %mul3A_222, %while3A_221 : i32
      %add3A_224 = arith.constant 1 : i32
      %add3A_225 = arith.addi %mul3A_223, %add3A_224 : i32
      %dma_wait3A_226 = arith.constant 0 : i32
      %dma_wait3A_227 = arith.constant 0 : i32
      %dma_wait3A_228 = tpu.memref_slice %arg11[%dma_wait3A_226, %dma_wait3A_227] : memref<128x128xf32, #tpu.memory_space<vmem>> -> memref<128x128xf32, #tpu.memory_space<vmem>>
      %dma_wait3A_229 = arith.constant 0 : i32
      %dma_wait3A_230 = tpu.memref_slice %arg7[%dma_wait3A_229] : memref<128xi32, #tpu.memory_space<vmem>> -> memref<128xi32, #tpu.memory_space<vmem>>
      %dma_wait3A_231 = arith.constant 0 : i32
      %dma_wait3A_232 = arith.constant 0 : i32
      %dma_wait3A_233 = tpu.memref_slice %arg2[%dma_wait3A_231, %dma_wait3A_232] : memref<10240x128xf32, #tpu.memory_space<hbm>> -> memref<10240x128xf32, #tpu.memory_space<hbm>>
      tpu.wait_indirect_dma semaphore(%arg14 : memref<!tpu.dma_semaphore, #tpu.memory_space<semaphore_mem>>) src(%dma_wait3A_233 : memref<10240x128xf32, #tpu.memory_space<hbm>>) dst(%dma_wait3A_228 : memref<128x128xf32, #tpu.memory_space<vmem>>)
      %add3A_234 = arith.constant 2 : i32
      %add3A_235 = arith.addi %mul3A_223, %add3A_234 : i32
      %dma_start3A_236 = arith.constant 0 : i32
      %dma_start3A_237 = arith.constant 0 : i32
      %dma_start3A_238 = tpu.memref_slice %arg3[%add3A, %dma_start3A_236, %dma_start3A_237] : memref<32x96x128xi32, #tpu.memory_space<hbm>> -> memref<1x96x128xi32, #tpu.memory_space<hbm>>
      %dma_start3A_239 = tpu.memref_squeeze %dma_start3A_238 : memref<1x96x128xi32, #tpu.memory_space<hbm>> -> memref<96x128xi32, #tpu.memory_space<hbm>>
      %dma_start3A_240 = arith.constant 0 : i32
      %dma_start3A_241 = tpu.memref_slice %dma_start3A_239[%add3A_235, %dma_start3A_240] : memref<96x128xi32, #tpu.memory_space<hbm>> -> memref<1x128xi32, #tpu.memory_space<hbm>>
      %dma_start3A_242 = tpu.memref_squeeze %dma_start3A_241 : memref<1x128xi32, #tpu.memory_space<hbm>> -> memref<128xi32, #tpu.memory_space<hbm>>
      %dma_start3A_243 = arith.constant 0 : i32
      %dma_start3A_244 = arith.constant 0 : i32
      %dma_start3A_245 = tpu.memref_slice %arg3[%add3A, %dma_start3A_243, %dma_start3A_244] : memref<32x96x128xi32, #tpu.memory_space<hbm>> -> memref<1x96x128xi32, #tpu.memory_space<hbm>>
      %dma_start3A_246 = tpu.memref_squeeze %dma_start3A_245 : memref<1x96x128xi32, #tpu.memory_space<hbm>> -> memref<96x128xi32, #tpu.memory_space<hbm>>
      %dma_start3A_247 = arith.constant 0 : i32
      %dma_start3A_248 = tpu.memref_slice %dma_start3A_246[%add3A_235, %dma_start3A_247] : memref<96x128xi32, #tpu.memory_space<hbm>> -> memref<1x128xi32, #tpu.memory_space<hbm>>
      %dma_start3A_249 = tpu.memref_squeeze %dma_start3A_248 : memref<1x128xi32, #tpu.memory_space<hbm>> -> memref<128xi32, #tpu.memory_space<hbm>>
      tpu.enqueue_dma source(%dma_start3A_249 : memref<128xi32, #tpu.memory_space<hbm>>) target(%arg7 : memref<128xi32, #tpu.memory_space<vmem>>) target_semaphore(%arg16 : memref<!tpu.dma_semaphore, #tpu.memory_space<semaphore_mem>>)
      %dma_wait3A_250 = arith.constant 0 : i32
      %dma_wait3A_251 = arith.constant 0 : i32
      %dma_wait3A_252 = tpu.memref_slice %arg4[%add3A, %dma_wait3A_250, %dma_wait3A_251] : memref<32x96x128xi32, #tpu.memory_space<hbm>> -> memref<1x96x128xi32, #tpu.memory_space<hbm>>
      %dma_wait3A_253 = tpu.memref_squeeze %dma_wait3A_252 : memref<1x96x128xi32, #tpu.memory_space<hbm>> -> memref<96x128xi32, #tpu.memory_space<hbm>>
      %dma_wait3A_254 = arith.constant 0 : i32
      %dma_wait3A_255 = tpu.memref_slice %dma_wait3A_253[%mul3A_223, %dma_wait3A_254] : memref<96x128xi32, #tpu.memory_space<hbm>> -> memref<1x128xi32, #tpu.memory_space<hbm>>
      %dma_wait3A_256 = tpu.memref_squeeze %dma_wait3A_255 : memref<1x128xi32, #tpu.memory_space<hbm>> -> memref<128xi32, #tpu.memory_space<hbm>>
      %dma_wait3A_257 = arith.constant 0 : i32
      %dma_wait3A_258 = arith.constant 0 : i32
      %dma_wait3A_259 = tpu.memref_slice %arg4[%add3A, %dma_wait3A_257, %dma_wait3A_258] : memref<32x96x128xi32, #tpu.memory_space<hbm>> -> memref<1x96x128xi32, #tpu.memory_space<hbm>>
      %dma_wait3A_260 = tpu.memref_squeeze %dma_wait3A_259 : memref<1x96x128xi32, #tpu.memory_space<hbm>> -> memref<96x128xi32, #tpu.memory_space<hbm>>
      %dma_wait3A_261 = arith.constant 0 : i32
      %dma_wait3A_262 = tpu.memref_slice %dma_wait3A_260[%mul3A_223, %dma_wait3A_261] : memref<96x128xi32, #tpu.memory_space<hbm>> -> memref<1x128xi32, #tpu.memory_space<hbm>>
      %dma_wait3A_263 = tpu.memref_squeeze %dma_wait3A_262 : memref<1x128xi32, #tpu.memory_space<hbm>> -> memref<128xi32, #tpu.memory_space<hbm>>
      tpu.wait_dma2 semaphore(%arg18 : memref<!tpu.dma_semaphore, #tpu.memory_space<semaphore_mem>>) src(%dma_wait3A_263 : memref<128xi32, #tpu.memory_space<hbm>>) dst(%arg9 : memref<128xi32, #tpu.memory_space<vmem>>)
      "tpu.region"() ({
        %run_scoped3A = tpu.sem_alloc : memref<!tpu.dma_semaphore, #tpu.memory_space<semaphore_mem>>
        %dma_start3A_382 = arith.constant 0 : i32
        %dma_start3A_383 = arith.constant 0 : i32
        %dma_start3A_384 = tpu.memref_slice %arg13[%dma_start3A_382, %dma_start3A_383] : memref<10240x128xf32, #tpu.memory_space<vmem_shared>> -> memref<10240x128xf32, #tpu.memory_space<vmem_shared>>
        tpu.enqueue_indirect_dma source(%arg11 : memref<128x128xf32, #tpu.memory_space<vmem>>) target(%dma_start3A_384 : memref<10240x128xf32, #tpu.memory_space<vmem_shared>>) offsets(%arg9 : memref<128xi32, #tpu.memory_space<vmem>>) semaphore(%run_scoped3A : memref<!tpu.dma_semaphore, #tpu.memory_space<semaphore_mem>>) {add = true}
        %dma_wait3A_385 = arith.constant 0 : i32
        %dma_wait3A_386 = arith.constant 0 : i32
        %dma_wait3A_387 = tpu.memref_slice %arg13[%dma_wait3A_385, %dma_wait3A_386] : memref<10240x128xf32, #tpu.memory_space<vmem_shared>> -> memref<10240x128xf32, #tpu.memory_space<vmem_shared>>
        tpu.wait_indirect_dma semaphore(%run_scoped3A : memref<!tpu.dma_semaphore, #tpu.memory_space<semaphore_mem>>) src(%arg11 : memref<128x128xf32, #tpu.memory_space<vmem>>) dst(%dma_wait3A_387 : memref<10240x128xf32, #tpu.memory_space<vmem_shared>>)
        tpu.yield
      }) : () -> ()
      %add3A_264 = arith.constant 2 : i32
      %add3A_265 = arith.addi %mul3A_223, %add3A_264 : i32
      %dma_wait3A_266 = arith.constant 0 : i32
      %dma_wait3A_267 = arith.constant 0 : i32
      %dma_wait3A_268 = tpu.memref_slice %arg3[%add3A, %dma_wait3A_266, %dma_wait3A_267] : memref<32x96x128xi32, #tpu.memory_space<hbm>> -> memref<1x96x128xi32, #tpu.memory_space<hbm>>
      %dma_wait3A_269 = tpu.memref_squeeze %dma_wait3A_268 : memref<1x96x128xi32, #tpu.memory_space<hbm>> -> memref<96x128xi32, #tpu.memory_space<hbm>>
      %dma_wait3A_270 = arith.constant 0 : i32
      %dma_wait3A_271 = tpu.memref_slice %dma_wait3A_269[%add3A_265, %dma_wait3A_270] : memref<96x128xi32, #tpu.memory_space<hbm>> -> memref<1x128xi32, #tpu.memory_space<hbm>>
      %dma_wait3A_272 = tpu.memref_squeeze %dma_wait3A_271 : memref<1x128xi32, #tpu.memory_space<hbm>> -> memref<128xi32, #tpu.memory_space<hbm>>
      %dma_wait3A_273 = arith.constant 0 : i32
      %dma_wait3A_274 = arith.constant 0 : i32
      %dma_wait3A_275 = tpu.memref_slice %arg3[%add3A, %dma_wait3A_273, %dma_wait3A_274] : memref<32x96x128xi32, #tpu.memory_space<hbm>> -> memref<1x96x128xi32, #tpu.memory_space<hbm>>
      %dma_wait3A_276 = tpu.memref_squeeze %dma_wait3A_275 : memref<1x96x128xi32, #tpu.memory_space<hbm>> -> memref<96x128xi32, #tpu.memory_space<hbm>>
      %dma_wait3A_277 = arith.constant 0 : i32
      %dma_wait3A_278 = tpu.memref_slice %dma_wait3A_276[%add3A_265, %dma_wait3A_277] : memref<96x128xi32, #tpu.memory_space<hbm>> -> memref<1x128xi32, #tpu.memory_space<hbm>>
      %dma_wait3A_279 = tpu.memref_squeeze %dma_wait3A_278 : memref<1x128xi32, #tpu.memory_space<hbm>> -> memref<128xi32, #tpu.memory_space<hbm>>
      tpu.wait_dma2 semaphore(%arg16 : memref<!tpu.dma_semaphore, #tpu.memory_space<semaphore_mem>>) src(%dma_wait3A_279 : memref<128xi32, #tpu.memory_space<hbm>>) dst(%arg7 : memref<128xi32, #tpu.memory_space<vmem>>)
      %dma_start3A_280 = arith.constant 0 : i32
      %dma_start3A_281 = arith.constant 0 : i32
      %dma_start3A_282 = tpu.memref_slice %arg11[%dma_start3A_280, %dma_start3A_281] : memref<128x128xf32, #tpu.memory_space<vmem>> -> memref<128x128xf32, #tpu.memory_space<vmem>>
      %dma_start3A_283 = arith.constant 0 : i32
      %dma_start3A_284 = tpu.memref_slice %arg7[%dma_start3A_283] : memref<128xi32, #tpu.memory_space<vmem>> -> memref<128xi32, #tpu.memory_space<vmem>>
      %dma_start3A_285 = arith.constant 0 : i32
      %dma_start3A_286 = arith.constant 0 : i32
      %dma_start3A_287 = tpu.memref_slice %arg2[%dma_start3A_285, %dma_start3A_286] : memref<10240x128xf32, #tpu.memory_space<hbm>> -> memref<10240x128xf32, #tpu.memory_space<hbm>>
      tpu.enqueue_indirect_dma source(%dma_start3A_287 : memref<10240x128xf32, #tpu.memory_space<hbm>>) target(%dma_start3A_282 : memref<128x128xf32, #tpu.memory_space<vmem>>) offsets(%dma_start3A_284 : memref<128xi32, #tpu.memory_space<vmem>>) semaphore(%arg14 : memref<!tpu.dma_semaphore, #tpu.memory_space<semaphore_mem>>)
      %add3A_288 = arith.constant 2 : i32
      %add3A_289 = arith.addi %mul3A_223, %add3A_288 : i32
      %dma_start3A_290 = arith.constant 0 : i32
      %dma_start3A_291 = arith.constant 0 : i32
      %dma_start3A_292 = tpu.memref_slice %arg4[%add3A, %dma_start3A_290, %dma_start3A_291] : memref<32x96x128xi32, #tpu.memory_space<hbm>> -> memref<1x96x128xi32, #tpu.memory_space<hbm>>
      %dma_start3A_293 = tpu.memref_squeeze %dma_start3A_292 : memref<1x96x128xi32, #tpu.memory_space<hbm>> -> memref<96x128xi32, #tpu.memory_space<hbm>>
      %dma_start3A_294 = arith.constant 0 : i32
      %dma_start3A_295 = tpu.memref_slice %dma_start3A_293[%add3A_289, %dma_start3A_294] : memref<96x128xi32, #tpu.memory_space<hbm>> -> memref<1x128xi32, #tpu.memory_space<hbm>>
      %dma_start3A_296 = tpu.memref_squeeze %dma_start3A_295 : memref<1x128xi32, #tpu.memory_space<hbm>> -> memref<128xi32, #tpu.memory_space<hbm>>
      %dma_start3A_297 = arith.constant 0 : i32
      %dma_start3A_298 = arith.constant 0 : i32
      %dma_start3A_299 = tpu.memref_slice %arg4[%add3A, %dma_start3A_297, %dma_start3A_298] : memref<32x96x128xi32, #tpu.memory_space<hbm>> -> memref<1x96x128xi32, #tpu.memory_space<hbm>>
      %dma_start3A_300 = tpu.memref_squeeze %dma_start3A_299 : memref<1x96x128xi32, #tpu.memory_space<hbm>> -> memref<96x128xi32, #tpu.memory_space<hbm>>
      %dma_start3A_301 = arith.constant 0 : i32
      %dma_start3A_302 = tpu.memref_slice %dma_start3A_300[%add3A_289, %dma_start3A_301] : memref<96x128xi32, #tpu.memory_space<hbm>> -> memref<1x128xi32, #tpu.memory_space<hbm>>
      %dma_start3A_303 = tpu.memref_squeeze %dma_start3A_302 : memref<1x128xi32, #tpu.memory_space<hbm>> -> memref<128xi32, #tpu.memory_space<hbm>>
      tpu.enqueue_dma source(%dma_start3A_303 : memref<128xi32, #tpu.memory_space<hbm>>) target(%arg9 : memref<128xi32, #tpu.memory_space<vmem>>) target_semaphore(%arg18 : memref<!tpu.dma_semaphore, #tpu.memory_space<semaphore_mem>>)
      %dma_wait3A_304 = arith.constant 0 : i32
      %dma_wait3A_305 = arith.constant 0 : i32
      %dma_wait3A_306 = tpu.memref_slice %arg12[%dma_wait3A_304, %dma_wait3A_305] : memref<128x128xf32, #tpu.memory_space<vmem>> -> memref<128x128xf32, #tpu.memory_space<vmem>>
      %dma_wait3A_307 = arith.constant 0 : i32
      %dma_wait3A_308 = tpu.memref_slice %arg8[%dma_wait3A_307] : memref<128xi32, #tpu.memory_space<vmem>> -> memref<128xi32, #tpu.memory_space<vmem>>
      %dma_wait3A_309 = arith.constant 0 : i32
      %dma_wait3A_310 = arith.constant 0 : i32
      %dma_wait3A_311 = tpu.memref_slice %arg2[%dma_wait3A_309, %dma_wait3A_310] : memref<10240x128xf32, #tpu.memory_space<hbm>> -> memref<10240x128xf32, #tpu.memory_space<hbm>>
      tpu.wait_indirect_dma semaphore(%arg15 : memref<!tpu.dma_semaphore, #tpu.memory_space<semaphore_mem>>) src(%dma_wait3A_311 : memref<10240x128xf32, #tpu.memory_space<hbm>>) dst(%dma_wait3A_306 : memref<128x128xf32, #tpu.memory_space<vmem>>)
      %add3A_312 = arith.constant 2 : i32
      %add3A_313 = arith.addi %add3A_225, %add3A_312 : i32
      %dma_start3A_314 = arith.constant 0 : i32
      %dma_start3A_315 = arith.constant 0 : i32
      %dma_start3A_316 = tpu.memref_slice %arg3[%add3A, %dma_start3A_314, %dma_start3A_315] : memref<32x96x128xi32, #tpu.memory_space<hbm>> -> memref<1x96x128xi32, #tpu.memory_space<hbm>>
      %dma_start3A_317 = tpu.memref_squeeze %dma_start3A_316 : memref<1x96x128xi32, #tpu.memory_space<hbm>> -> memref<96x128xi32, #tpu.memory_space<hbm>>
      %dma_start3A_318 = arith.constant 0 : i32
      %dma_start3A_319 = tpu.memref_slice %dma_start3A_317[%add3A_313, %dma_start3A_318] : memref<96x128xi32, #tpu.memory_space<hbm>> -> memref<1x128xi32, #tpu.memory_space<hbm>>
      %dma_start3A_320 = tpu.memref_squeeze %dma_start3A_319 : memref<1x128xi32, #tpu.memory_space<hbm>> -> memref<128xi32, #tpu.memory_space<hbm>>
      %dma_start3A_321 = arith.constant 0 : i32
      %dma_start3A_322 = arith.constant 0 : i32
      %dma_start3A_323 = tpu.memref_slice %arg3[%add3A, %dma_start3A_321, %dma_start3A_322] : memref<32x96x128xi32, #tpu.memory_space<hbm>> -> memref<1x96x128xi32, #tpu.memory_space<hbm>>
      %dma_start3A_324 = tpu.memref_squeeze %dma_start3A_323 : memref<1x96x128xi32, #tpu.memory_space<hbm>> -> memref<96x128xi32, #tpu.memory_space<hbm>>
      %dma_start3A_325 = arith.constant 0 : i32
      %dma_start3A_326 = tpu.memref_slice %dma_start3A_324[%add3A_313, %dma_start3A_325] : memref<96x128xi32, #tpu.memory_space<hbm>> -> memref<1x128xi32, #tpu.memory_space<hbm>>
      %dma_start3A_327 = tpu.memref_squeeze %dma_start3A_326 : memref<1x128xi32, #tpu.memory_space<hbm>> -> memref<128xi32, #tpu.memory_space<hbm>>
      tpu.enqueue_dma source(%dma_start3A_327 : memref<128xi32, #tpu.memory_space<hbm>>) target(%arg8 : memref<128xi32, #tpu.memory_space<vmem>>) target_semaphore(%arg17 : memref<!tpu.dma_semaphore, #tpu.memory_space<semaphore_mem>>)
      %dma_wait3A_328 = arith.constant 0 : i32
      %dma_wait3A_329 = arith.constant 0 : i32
      %dma_wait3A_330 = tpu.memref_slice %arg4[%add3A, %dma_wait3A_328, %dma_wait3A_329] : memref<32x96x128xi32, #tpu.memory_space<hbm>> -> memref<1x96x128xi32, #tpu.memory_space<hbm>>
      %dma_wait3A_331 = tpu.memref_squeeze %dma_wait3A_330 : memref<1x96x128xi32, #tpu.memory_space<hbm>> -> memref<96x128xi32, #tpu.memory_space<hbm>>
      %dma_wait3A_332 = arith.constant 0 : i32
      %dma_wait3A_333 = tpu.memref_slice %dma_wait3A_331[%add3A_225, %dma_wait3A_332] : memref<96x128xi32, #tpu.memory_space<hbm>> -> memref<1x128xi32, #tpu.memory_space<hbm>>
      %dma_wait3A_334 = tpu.memref_squeeze %dma_wait3A_333 : memref<1x128xi32, #tpu.memory_space<hbm>> -> memref<128xi32, #tpu.memory_space<hbm>>
      %dma_wait3A_335 = arith.constant 0 : i32
      %dma_wait3A_336 = arith.constant 0 : i32
      %dma_wait3A_337 = tpu.memref_slice %arg4[%add3A, %dma_wait3A_335, %dma_wait3A_336] : memref<32x96x128xi32, #tpu.memory_space<hbm>> -> memref<1x96x128xi32, #tpu.memory_space<hbm>>
      %dma_wait3A_338 = tpu.memref_squeeze %dma_wait3A_337 : memref<1x96x128xi32, #tpu.memory_space<hbm>> -> memref<96x128xi32, #tpu.memory_space<hbm>>
      %dma_wait3A_339 = arith.constant 0 : i32
      %dma_wait3A_340 = tpu.memref_slice %dma_wait3A_338[%add3A_225, %dma_wait3A_339] : memref<96x128xi32, #tpu.memory_space<hbm>> -> memref<1x128xi32, #tpu.memory_space<hbm>>
      %dma_wait3A_341 = tpu.memref_squeeze %dma_wait3A_340 : memref<1x128xi32, #tpu.memory_space<hbm>> -> memref<128xi32, #tpu.memory_space<hbm>>
      tpu.wait_dma2 semaphore(%arg19 : memref<!tpu.dma_semaphore, #tpu.memory_space<semaphore_mem>>) src(%dma_wait3A_341 : memref<128xi32, #tpu.memory_space<hbm>>) dst(%arg10 : memref<128xi32, #tpu.memory_space<vmem>>)
      "tpu.region"() ({
        %run_scoped3A = tpu.sem_alloc : memref<!tpu.dma_semaphore, #tpu.memory_space<semaphore_mem>>
        %dma_start3A_382 = arith.constant 0 : i32
        %dma_start3A_383 = arith.constant 0 : i32
        %dma_start3A_384 = tpu.memref_slice %arg13[%dma_start3A_382, %dma_start3A_383] : memref<10240x128xf32, #tpu.memory_space<vmem_shared>> -> memref<10240x128xf32, #tpu.memory_space<vmem_shared>>
        tpu.enqueue_indirect_dma source(%arg12 : memref<128x128xf32, #tpu.memory_space<vmem>>) target(%dma_start3A_384 : memref<10240x128xf32, #tpu.memory_space<vmem_shared>>) offsets(%arg10 : memref<128xi32, #tpu.memory_space<vmem>>) semaphore(%run_scoped3A : memref<!tpu.dma_semaphore, #tpu.memory_space<semaphore_mem>>) {add = true}
        %dma_wait3A_385 = arith.constant 0 : i32
        %dma_wait3A_386 = arith.constant 0 : i32
        %dma_wait3A_387 = tpu.memref_slice %arg13[%dma_wait3A_385, %dma_wait3A_386] : memref<10240x128xf32, #tpu.memory_space<vmem_shared>> -> memref<10240x128xf32, #tpu.memory_space<vmem_shared>>
        tpu.wait_indirect_dma semaphore(%run_scoped3A : memref<!tpu.dma_semaphore, #tpu.memory_space<semaphore_mem>>) src(%arg12 : memref<128x128xf32, #tpu.memory_space<vmem>>) dst(%dma_wait3A_387 : memref<10240x128xf32, #tpu.memory_space<vmem_shared>>)
        tpu.yield
      }) : () -> ()
      %add3A_342 = arith.constant 2 : i32
      %add3A_343 = arith.addi %add3A_225, %add3A_342 : i32
      %dma_wait3A_344 = arith.constant 0 : i32
      %dma_wait3A_345 = arith.constant 0 : i32
      %dma_wait3A_346 = tpu.memref_slice %arg3[%add3A, %dma_wait3A_344, %dma_wait3A_345] : memref<32x96x128xi32, #tpu.memory_space<hbm>> -> memref<1x96x128xi32, #tpu.memory_space<hbm>>
      %dma_wait3A_347 = tpu.memref_squeeze %dma_wait3A_346 : memref<1x96x128xi32, #tpu.memory_space<hbm>> -> memref<96x128xi32, #tpu.memory_space<hbm>>
      %dma_wait3A_348 = arith.constant 0 : i32
      %dma_wait3A_349 = tpu.memref_slice %dma_wait3A_347[%add3A_343, %dma_wait3A_348] : memref<96x128xi32, #tpu.memory_space<hbm>> -> memref<1x128xi32, #tpu.memory_space<hbm>>
      %dma_wait3A_350 = tpu.memref_squeeze %dma_wait3A_349 : memref<1x128xi32, #tpu.memory_space<hbm>> -> memref<128xi32, #tpu.memory_space<hbm>>
      %dma_wait3A_351 = arith.constant 0 : i32
      %dma_wait3A_352 = arith.constant 0 : i32
      %dma_wait3A_353 = tpu.memref_slice %arg3[%add3A, %dma_wait3A_351, %dma_wait3A_352] : memref<32x96x128xi32, #tpu.memory_space<hbm>> -> memref<1x96x128xi32, #tpu.memory_space<hbm>>
      %dma_wait3A_354 = tpu.memref_squeeze %dma_wait3A_353 : memref<1x96x128xi32, #tpu.memory_space<hbm>> -> memref<96x128xi32, #tpu.memory_space<hbm>>
      %dma_wait3A_355 = arith.constant 0 : i32
      %dma_wait3A_356 = tpu.memref_slice %dma_wait3A_354[%add3A_343, %dma_wait3A_355] : memref<96x128xi32, #tpu.memory_space<hbm>> -> memref<1x128xi32, #tpu.memory_space<hbm>>
      %dma_wait3A_357 = tpu.memref_squeeze %dma_wait3A_356 : memref<1x128xi32, #tpu.memory_space<hbm>> -> memref<128xi32, #tpu.memory_space<hbm>>
      tpu.wait_dma2 semaphore(%arg17 : memref<!tpu.dma_semaphore, #tpu.memory_space<semaphore_mem>>) src(%dma_wait3A_357 : memref<128xi32, #tpu.memory_space<hbm>>) dst(%arg8 : memref<128xi32, #tpu.memory_space<vmem>>)
      %dma_start3A_358 = arith.constant 0 : i32
      %dma_start3A_359 = arith.constant 0 : i32
      %dma_start3A_360 = tpu.memref_slice %arg12[%dma_start3A_358, %dma_start3A_359] : memref<128x128xf32, #tpu.memory_space<vmem>> -> memref<128x128xf32, #tpu.memory_space<vmem>>
      %dma_start3A_361 = arith.constant 0 : i32
      %dma_start3A_362 = tpu.memref_slice %arg8[%dma_start3A_361] : memref<128xi32, #tpu.memory_space<vmem>> -> memref<128xi32, #tpu.memory_space<vmem>>
      %dma_start3A_363 = arith.constant 0 : i32
      %dma_start3A_364 = arith.constant 0 : i32
      %dma_start3A_365 = tpu.memref_slice %arg2[%dma_start3A_363, %dma_start3A_364] : memref<10240x128xf32, #tpu.memory_space<hbm>> -> memref<10240x128xf32, #tpu.memory_space<hbm>>
      tpu.enqueue_indirect_dma source(%dma_start3A_365 : memref<10240x128xf32, #tpu.memory_space<hbm>>) target(%dma_start3A_360 : memref<128x128xf32, #tpu.memory_space<vmem>>) offsets(%dma_start3A_362 : memref<128xi32, #tpu.memory_space<vmem>>) semaphore(%arg15 : memref<!tpu.dma_semaphore, #tpu.memory_space<semaphore_mem>>)
      %add3A_366 = arith.constant 2 : i32
      %add3A_367 = arith.addi %add3A_225, %add3A_366 : i32
      %dma_start3A_368 = arith.constant 0 : i32
      %dma_start3A_369 = arith.constant 0 : i32
      %dma_start3A_370 = tpu.memref_slice %arg4[%add3A, %dma_start3A_368, %dma_start3A_369] : memref<32x96x128xi32, #tpu.memory_space<hbm>> -> memref<1x96x128xi32, #tpu.memory_space<hbm>>
      %dma_start3A_371 = tpu.memref_squeeze %dma_start3A_370 : memref<1x96x128xi32, #tpu.memory_space<hbm>> -> memref<96x128xi32, #tpu.memory_space<hbm>>
      %dma_start3A_372 = arith.constant 0 : i32
      %dma_start3A_373 = tpu.memref_slice %dma_start3A_371[%add3A_367, %dma_start3A_372] : memref<96x128xi32, #tpu.memory_space<hbm>> -> memref<1x128xi32, #tpu.memory_space<hbm>>
      %dma_start3A_374 = tpu.memref_squeeze %dma_start3A_373 : memref<1x128xi32, #tpu.memory_space<hbm>> -> memref<128xi32, #tpu.memory_space<hbm>>
      %dma_start3A_375 = arith.constant 0 : i32
      %dma_start3A_376 = arith.constant 0 : i32
      %dma_start3A_377 = tpu.memref_slice %arg4[%add3A, %dma_start3A_375, %dma_start3A_376] : memref<32x96x128xi32, #tpu.memory_space<hbm>> -> memref<1x96x128xi32, #tpu.memory_space<hbm>>
      %dma_start3A_378 = tpu.memref_squeeze %dma_start3A_377 : memref<1x96x128xi32, #tpu.memory_space<hbm>> -> memref<96x128xi32, #tpu.memory_space<hbm>>
      %dma_start3A_379 = arith.constant 0 : i32
      %dma_start3A_380 = tpu.memref_slice %dma_start3A_378[%add3A_367, %dma_start3A_379] : memref<96x128xi32, #tpu.memory_space<hbm>> -> memref<1x128xi32, #tpu.memory_space<hbm>>
      %dma_start3A_381 = tpu.memref_squeeze %dma_start3A_380 : memref<1x128xi32, #tpu.memory_space<hbm>> -> memref<128xi32, #tpu.memory_space<hbm>>
      tpu.enqueue_dma source(%dma_start3A_381 : memref<128xi32, #tpu.memory_space<hbm>>) target(%arg10 : memref<128xi32, #tpu.memory_space<vmem>>) target_semaphore(%arg19 : memref<!tpu.dma_semaphore, #tpu.memory_space<semaphore_mem>>)
    }
    %dma_wait3A_154 = arith.constant 0 : i32
    %dma_wait3A_155 = arith.constant 0 : i32
    %dma_wait3A_156 = tpu.memref_slice %arg11[%dma_wait3A_154, %dma_wait3A_155] : memref<128x128xf32, #tpu.memory_space<vmem>> -> memref<128x128xf32, #tpu.memory_space<vmem>>
    %dma_wait3A_157 = arith.constant 0 : i32
    %dma_wait3A_158 = tpu.memref_slice %arg7[%dma_wait3A_157] : memref<128xi32, #tpu.memory_space<vmem>> -> memref<128xi32, #tpu.memory_space<vmem>>
    %dma_wait3A_159 = arith.constant 0 : i32
    %dma_wait3A_160 = arith.constant 0 : i32
    %dma_wait3A_161 = tpu.memref_slice %arg2[%dma_wait3A_159, %dma_wait3A_160] : memref<10240x128xf32, #tpu.memory_space<hbm>> -> memref<10240x128xf32, #tpu.memory_space<hbm>>
    tpu.wait_indirect_dma semaphore(%arg14 : memref<!tpu.dma_semaphore, #tpu.memory_space<semaphore_mem>>) src(%dma_wait3A_161 : memref<10240x128xf32, #tpu.memory_space<hbm>>) dst(%dma_wait3A_156 : memref<128x128xf32, #tpu.memory_space<vmem>>)
    %dma_wait3A_162 = arith.constant 0 : i32
    %dma_wait3A_163 = arith.constant 0 : i32
    %dma_wait3A_164 = tpu.memref_slice %arg12[%dma_wait3A_162, %dma_wait3A_163] : memref<128x128xf32, #tpu.memory_space<vmem>> -> memref<128x128xf32, #tpu.memory_space<vmem>>
    %dma_wait3A_165 = arith.constant 0 : i32
    %dma_wait3A_166 = tpu.memref_slice %arg8[%dma_wait3A_165] : memref<128xi32, #tpu.memory_space<vmem>> -> memref<128xi32, #tpu.memory_space<vmem>>
    %dma_wait3A_167 = arith.constant 0 : i32
    %dma_wait3A_168 = arith.constant 0 : i32
    %dma_wait3A_169 = tpu.memref_slice %arg2[%dma_wait3A_167, %dma_wait3A_168] : memref<10240x128xf32, #tpu.memory_space<hbm>> -> memref<10240x128xf32, #tpu.memory_space<hbm>>
    tpu.wait_indirect_dma semaphore(%arg15 : memref<!tpu.dma_semaphore, #tpu.memory_space<semaphore_mem>>) src(%dma_wait3A_169 : memref<10240x128xf32, #tpu.memory_space<hbm>>) dst(%dma_wait3A_164 : memref<128x128xf32, #tpu.memory_space<vmem>>)
    %dma_wait3A_170 = arith.constant 0 : i32
    %dma_wait3A_171 = arith.constant 0 : i32
    %dma_wait3A_172 = arith.constant 0 : i32
    %dma_wait3A_173 = tpu.memref_slice %arg4[%add3A, %dma_wait3A_171, %dma_wait3A_172] : memref<32x96x128xi32, #tpu.memory_space<hbm>> -> memref<1x96x128xi32, #tpu.memory_space<hbm>>
    %dma_wait3A_174 = tpu.memref_squeeze %dma_wait3A_173 : memref<1x96x128xi32, #tpu.memory_space<hbm>> -> memref<96x128xi32, #tpu.memory_space<hbm>>
    %dma_wait3A_175 = arith.constant 0 : i32
    %dma_wait3A_176 = tpu.memref_slice %dma_wait3A_174[%dma_wait3A_170, %dma_wait3A_175] : memref<96x128xi32, #tpu.memory_space<hbm>> -> memref<1x128xi32, #tpu.memory_space<hbm>>
    %dma_wait3A_177 = tpu.memref_squeeze %dma_wait3A_176 : memref<1x128xi32, #tpu.memory_space<hbm>> -> memref<128xi32, #tpu.memory_space<hbm>>
    %dma_wait3A_178 = arith.constant 0 : i32
    %dma_wait3A_179 = arith.constant 0 : i32
    %dma_wait3A_180 = tpu.memref_slice %arg4[%add3A, %dma_wait3A_178, %dma_wait3A_179] : memref<32x96x128xi32, #tpu.memory_space<hbm>> -> memref<1x96x128xi32, #tpu.memory_space<hbm>>
    %dma_wait3A_181 = tpu.memref_squeeze %dma_wait3A_180 : memref<1x96x128xi32, #tpu.memory_space<hbm>> -> memref<96x128xi32, #tpu.memory_space<hbm>>
    %dma_wait3A_182 = arith.constant 0 : i32
    %dma_wait3A_183 = tpu.memref_slice %dma_wait3A_181[%dma_wait3A_170, %dma_wait3A_182] : memref<96x128xi32, #tpu.memory_space<hbm>> -> memref<1x128xi32, #tpu.memory_space<hbm>>
    %dma_wait3A_184 = tpu.memref_squeeze %dma_wait3A_183 : memref<1x128xi32, #tpu.memory_space<hbm>> -> memref<128xi32, #tpu.memory_space<hbm>>
    tpu.wait_dma2 semaphore(%arg18 : memref<!tpu.dma_semaphore, #tpu.memory_space<semaphore_mem>>) src(%dma_wait3A_184 : memref<128xi32, #tpu.memory_space<hbm>>) dst(%arg9 : memref<128xi32, #tpu.memory_space<vmem>>)
    %dma_wait3A_185 = arith.constant 1 : i32
    %dma_wait3A_186 = arith.constant 0 : i32
    %dma_wait3A_187 = arith.constant 0 : i32
    %dma_wait3A_188 = tpu.memref_slice %arg4[%add3A, %dma_wait3A_186, %dma_wait3A_187] : memref<32x96x128xi32, #tpu.memory_space<hbm>> -> memref<1x96x128xi32, #tpu.memory_space<hbm>>
    %dma_wait3A_189 = tpu.memref_squeeze %dma_wait3A_188 : memref<1x96x128xi32, #tpu.memory_space<hbm>> -> memref<96x128xi32, #tpu.memory_space<hbm>>
    %dma_wait3A_190 = arith.constant 0 : i32
    %dma_wait3A_191 = tpu.memref_slice %dma_wait3A_189[%dma_wait3A_185, %dma_wait3A_190] : memref<96x128xi32, #tpu.memory_space<hbm>> -> memref<1x128xi32, #tpu.memory_space<hbm>>
    %dma_wait3A_192 = tpu.memref_squeeze %dma_wait3A_191 : memref<1x128xi32, #tpu.memory_space<hbm>> -> memref<128xi32, #tpu.memory_space<hbm>>
    %dma_wait3A_193 = arith.constant 0 : i32
    %dma_wait3A_194 = arith.constant 0 : i32
    %dma_wait3A_195 = tpu.memref_slice %arg4[%add3A, %dma_wait3A_193, %dma_wait3A_194] : memref<32x96x128xi32, #tpu.memory_space<hbm>> -> memref<1x96x128xi32, #tpu.memory_space<hbm>>
    %dma_wait3A_196 = tpu.memref_squeeze %dma_wait3A_195 : memref<1x96x128xi32, #tpu.memory_space<hbm>> -> memref<96x128xi32, #tpu.memory_space<hbm>>
    %dma_wait3A_197 = arith.constant 0 : i32
    %dma_wait3A_198 = tpu.memref_slice %dma_wait3A_196[%dma_wait3A_185, %dma_wait3A_197] : memref<96x128xi32, #tpu.memory_space<hbm>> -> memref<1x128xi32, #tpu.memory_space<hbm>>
    %dma_wait3A_199 = tpu.memref_squeeze %dma_wait3A_198 : memref<1x128xi32, #tpu.memory_space<hbm>> -> memref<128xi32, #tpu.memory_space<hbm>>
    tpu.wait_dma2 semaphore(%arg19 : memref<!tpu.dma_semaphore, #tpu.memory_space<semaphore_mem>>) src(%dma_wait3A_199 : memref<128xi32, #tpu.memory_space<hbm>>) dst(%arg10 : memref<128xi32, #tpu.memory_space<vmem>>)
    %barrier3A_200 = arith.constant 0 : index
    tpu.barrier barrier_id(%barrier3A_200)
    %mul3A_201 = arith.constant 640 : i32
    %mul3A_202 = arith.muli %arg1, %mul3A_201 : i32
    %add3A_203 = arith.constant 0 : i32
    %add3A_204 = arith.addi %mul3A_202, %add3A_203 : i32
    "tpu.region"() ({
      %run_scoped3A = tpu.sem_alloc : memref<!tpu.dma_semaphore, #tpu.memory_space<semaphore_mem>>
      %dma_start3A_221 = arith.constant 0 : i32
      %dma_start3A_222 = tpu.memref_slice %arg13[%add3A_204, %dma_start3A_221] : memref<10240x128xf32, #tpu.memory_space<vmem_shared>> -> memref<128x128xf32, #tpu.memory_space<vmem_shared>>
      %dma_start3A_223 = arith.constant 0 : i32
      %dma_start3A_224 = tpu.memref_slice %arg13[%add3A_204, %dma_start3A_223] : memref<10240x128xf32, #tpu.memory_space<vmem_shared>> -> memref<128x128xf32, #tpu.memory_space<vmem_shared>>
      tpu.enqueue_dma source(%dma_start3A_224 : memref<128x128xf32, #tpu.memory_space<vmem_shared>>) target(%arg11 : memref<128x128xf32, #tpu.memory_space<vmem>>) target_semaphore(%run_scoped3A : memref<!tpu.dma_semaphore, #tpu.memory_space<semaphore_mem>>)
      %dma_wait3A_225 = arith.constant 0 : i32
      %dma_wait3A_226 = tpu.memref_slice %arg13[%add3A_204, %dma_wait3A_225] : memref<10240x128xf32, #tpu.memory_space<vmem_shared>> -> memref<128x128xf32, #tpu.memory_space<vmem_shared>>
      %dma_wait3A_227 = arith.constant 0 : i32
      %dma_wait3A_228 = tpu.memref_slice %arg13[%add3A_204, %dma_wait3A_227] : memref<10240x128xf32, #tpu.memory_space<vmem_shared>> -> memref<128x128xf32, #tpu.memory_space<vmem_shared>>
      tpu.wait_dma2 semaphore(%run_scoped3A : memref<!tpu.dma_semaphore, #tpu.memory_space<semaphore_mem>>) src(%dma_wait3A_228 : memref<128x128xf32, #tpu.memory_space<vmem_shared>>) dst(%arg11 : memref<128x128xf32, #tpu.memory_space<vmem>>)
      tpu.yield
    }) : () -> ()
    "tpu.region"() ({
      %run_scoped3A = tpu.sem_alloc : memref<!tpu.dma_semaphore, #tpu.memory_space<semaphore_mem>>
      %dma_start3A_221 = arith.constant 0 : i32
      %dma_start3A_222 = tpu.memref_slice %arg6[%arg0, %add3A_204, %dma_start3A_221] : memref<2x10240x128xf32, #tpu.memory_space<hbm>> -> memref<1x128x128xf32, #tpu.memory_space<hbm>>
      %dma_start3A_223 = tpu.memref_squeeze %dma_start3A_222 : memref<1x128x128xf32, #tpu.memory_space<hbm>> -> memref<128x128xf32, #tpu.memory_space<hbm>>
      %dma_start3A_224 = arith.constant 0 : i32
      %dma_start3A_225 = tpu.memref_slice %arg6[%arg0, %add3A_204, %dma_start3A_224] : memref<2x10240x128xf32, #tpu.memory_space<hbm>> -> memref<1x128x128xf32, #tpu.memory_space<hbm>>
      %dma_start3A_226 = tpu.memref_squeeze %dma_start3A_225 : memref<1x128x128xf32, #tpu.memory_space<hbm>> -> memref<128x128xf32, #tpu.memory_space<hbm>>
      tpu.enqueue_dma source(%arg11 : memref<128x128xf32, #tpu.memory_space<vmem>>) target(%dma_start3A_226 : memref<128x128xf32, #tpu.memory_space<hbm>>) target_semaphore(%run_scoped3A : memref<!tpu.dma_semaphore, #tpu.memory_space<semaphore_mem>>)
      %dma_wait3A_227 = arith.constant 0 : i32
      %dma_wait3A_228 = tpu.memref_slice %arg6[%arg0, %add3A_204, %dma_wait3A_227] : memref<2x10240x128xf32, #tpu.memory_space<hbm>> -> memref<1x128x128xf32, #tpu.memory_space<hbm>>
      %dma_wait3A_229 = tpu.memref_squeeze %dma_wait3A_228 : memref<1x128x128xf32, #tpu.memory_space<hbm>> -> memref<128x128xf32, #tpu.memory_space<hbm>>
      %dma_wait3A_230 = arith.constant 0 : i32
      %dma_wait3A_231 = tpu.memref_slice %arg6[%arg0, %add3A_204, %dma_wait3A_230] : memref<2x10240x128xf32, #tpu.memory_space<hbm>> -> memref<1x128x128xf32, #tpu.memory_space<hbm>>
      %dma_wait3A_232 = tpu.memref_squeeze %dma_wait3A_231 : memref<1x128x128xf32, #tpu.memory_space<hbm>> -> memref<128x128xf32, #tpu.memory_space<hbm>>
      tpu.wait_dma2 semaphore(%run_scoped3A : memref<!tpu.dma_semaphore, #tpu.memory_space<semaphore_mem>>) src(%arg11 : memref<128x128xf32, #tpu.memory_space<vmem>>) dst(%dma_wait3A_232 : memref<128x128xf32, #tpu.memory_space<hbm>>)
      tpu.yield
    }) : () -> ()
    %mul3A_205 = arith.constant 640 : i32
    %mul3A_206 = arith.muli %arg1, %mul3A_205 : i32
    %add3A_207 = arith.constant 128 : i32
    %add3A_208 = arith.addi %mul3A_206, %add3A_207 : i32
    "tpu.region"() ({
      %run_scoped3A = tpu.sem_alloc : memref<!tpu.dma_semaphore, #tpu.memory_space<semaphore_mem>>
      %dma_start3A_221 = arith.constant 0 : i32
      %dma_start3A_222 = tpu.memref_slice %arg13[%add3A_208, %dma_start3A_221] : memref<10240x128xf32, #tpu.memory_space<vmem_shared>> -> memref<128x128xf32, #tpu.memory_space<vmem_shared>>
      %dma_start3A_223 = arith.constant 0 : i32
      %dma_start3A_224 = tpu.memref_slice %arg13[%add3A_208, %dma_start3A_223] : memref<10240x128xf32, #tpu.memory_space<vmem_shared>> -> memref<128x128xf32, #tpu.memory_space<vmem_shared>>
      tpu.enqueue_dma source(%dma_start3A_224 : memref<128x128xf32, #tpu.memory_space<vmem_shared>>) target(%arg11 : memref<128x128xf32, #tpu.memory_space<vmem>>) target_semaphore(%run_scoped3A : memref<!tpu.dma_semaphore, #tpu.memory_space<semaphore_mem>>)
      %dma_wait3A_225 = arith.constant 0 : i32
      %dma_wait3A_226 = tpu.memref_slice %arg13[%add3A_208, %dma_wait3A_225] : memref<10240x128xf32, #tpu.memory_space<vmem_shared>> -> memref<128x128xf32, #tpu.memory_space<vmem_shared>>
      %dma_wait3A_227 = arith.constant 0 : i32
      %dma_wait3A_228 = tpu.memref_slice %arg13[%add3A_208, %dma_wait3A_227] : memref<10240x128xf32, #tpu.memory_space<vmem_shared>> -> memref<128x128xf32, #tpu.memory_space<vmem_shared>>
      tpu.wait_dma2 semaphore(%run_scoped3A : memref<!tpu.dma_semaphore, #tpu.memory_space<semaphore_mem>>) src(%dma_wait3A_228 : memref<128x128xf32, #tpu.memory_space<vmem_shared>>) dst(%arg11 : memref<128x128xf32, #tpu.memory_space<vmem>>)
      tpu.yield
    }) : () -> ()
    "tpu.region"() ({
      %run_scoped3A = tpu.sem_alloc : memref<!tpu.dma_semaphore, #tpu.memory_space<semaphore_mem>>
      %dma_start3A_221 = arith.constant 0 : i32
      %dma_start3A_222 = tpu.memref_slice %arg6[%arg0, %add3A_208, %dma_start3A_221] : memref<2x10240x128xf32, #tpu.memory_space<hbm>> -> memref<1x128x128xf32, #tpu.memory_space<hbm>>
      %dma_start3A_223 = tpu.memref_squeeze %dma_start3A_222 : memref<1x128x128xf32, #tpu.memory_space<hbm>> -> memref<128x128xf32, #tpu.memory_space<hbm>>
      %dma_start3A_224 = arith.constant 0 : i32
      %dma_start3A_225 = tpu.memref_slice %arg6[%arg0, %add3A_208, %dma_start3A_224] : memref<2x10240x128xf32, #tpu.memory_space<hbm>> -> memref<1x128x128xf32, #tpu.memory_space<hbm>>
      %dma_start3A_226 = tpu.memref_squeeze %dma_start3A_225 : memref<1x128x128xf32, #tpu.memory_space<hbm>> -> memref<128x128xf32, #tpu.memory_space<hbm>>
      tpu.enqueue_dma source(%arg11 : memref<128x128xf32, #tpu.memory_space<vmem>>) target(%dma_start3A_226 : memref<128x128xf32, #tpu.memory_space<hbm>>) target_semaphore(%run_scoped3A : memref<!tpu.dma_semaphore, #tpu.memory_space<semaphore_mem>>)
      %dma_wait3A_227 = arith.constant 0 : i32
      %dma_wait3A_228 = tpu.memref_slice %arg6[%arg0, %add3A_208, %dma_wait3A_227] : memref<2x10240x128xf32, #tpu.memory_space<hbm>> -> memref<1x128x128xf32, #tpu.memory_space<hbm>>
      %dma_wait3A_229 = tpu.memref_squeeze %dma_wait3A_228 : memref<1x128x128xf32, #tpu.memory_space<hbm>> -> memref<128x128xf32, #tpu.memory_space<hbm>>
      %dma_wait3A_230 = arith.constant 0 : i32
      %dma_wait3A_231 = tpu.memref_slice %arg6[%arg0, %add3A_208, %dma_wait3A_230] : memref<2x10240x128xf32, #tpu.memory_space<hbm>> -> memref<1x128x128xf32, #tpu.memory_space<hbm>>
      %dma_wait3A_232 = tpu.memref_squeeze %dma_wait3A_231 : memref<1x128x128xf32, #tpu.memory_space<hbm>> -> memref<128x128xf32, #tpu.memory_space<hbm>>
      tpu.wait_dma2 semaphore(%run_scoped3A : memref<!tpu.dma_semaphore, #tpu.memory_space<semaphore_mem>>) src(%arg11 : memref<128x128xf32, #tpu.memory_space<vmem>>) dst(%dma_wait3A_232 : memref<128x128xf32, #tpu.memory_space<hbm>>)
      tpu.yield
    }) : () -> ()
    %mul3A_209 = arith.constant 640 : i32
    %mul3A_210 = arith.muli %arg1, %mul3A_209 : i32
    %add3A_211 = arith.constant 256 : i32
    %add3A_212 = arith.addi %mul3A_210, %add3A_211 : i32
    "tpu.region"() ({
      %run_scoped3A = tpu.sem_alloc : memref<!tpu.dma_semaphore, #tpu.memory_space<semaphore_mem>>
      %dma_start3A_221 = arith.constant 0 : i32
      %dma_start3A_222 = tpu.memref_slice %arg13[%add3A_212, %dma_start3A_221] : memref<10240x128xf32, #tpu.memory_space<vmem_shared>> -> memref<128x128xf32, #tpu.memory_space<vmem_shared>>
      %dma_start3A_223 = arith.constant 0 : i32
      %dma_start3A_224 = tpu.memref_slice %arg13[%add3A_212, %dma_start3A_223] : memref<10240x128xf32, #tpu.memory_space<vmem_shared>> -> memref<128x128xf32, #tpu.memory_space<vmem_shared>>
      tpu.enqueue_dma source(%dma_start3A_224 : memref<128x128xf32, #tpu.memory_space<vmem_shared>>) target(%arg11 : memref<128x128xf32, #tpu.memory_space<vmem>>) target_semaphore(%run_scoped3A : memref<!tpu.dma_semaphore, #tpu.memory_space<semaphore_mem>>)
      %dma_wait3A_225 = arith.constant 0 : i32
      %dma_wait3A_226 = tpu.memref_slice %arg13[%add3A_212, %dma_wait3A_225] : memref<10240x128xf32, #tpu.memory_space<vmem_shared>> -> memref<128x128xf32, #tpu.memory_space<vmem_shared>>
      %dma_wait3A_227 = arith.constant 0 : i32
      %dma_wait3A_228 = tpu.memref_slice %arg13[%add3A_212, %dma_wait3A_227] : memref<10240x128xf32, #tpu.memory_space<vmem_shared>> -> memref<128x128xf32, #tpu.memory_space<vmem_shared>>
      tpu.wait_dma2 semaphore(%run_scoped3A : memref<!tpu.dma_semaphore, #tpu.memory_space<semaphore_mem>>) src(%dma_wait3A_228 : memref<128x128xf32, #tpu.memory_space<vmem_shared>>) dst(%arg11 : memref<128x128xf32, #tpu.memory_space<vmem>>)
      tpu.yield
    }) : () -> ()
    "tpu.region"() ({
      %run_scoped3A = tpu.sem_alloc : memref<!tpu.dma_semaphore, #tpu.memory_space<semaphore_mem>>
      %dma_start3A_221 = arith.constant 0 : i32
      %dma_start3A_222 = tpu.memref_slice %arg6[%arg0, %add3A_212, %dma_start3A_221] : memref<2x10240x128xf32, #tpu.memory_space<hbm>> -> memref<1x128x128xf32, #tpu.memory_space<hbm>>
      %dma_start3A_223 = tpu.memref_squeeze %dma_start3A_222 : memref<1x128x128xf32, #tpu.memory_space<hbm>> -> memref<128x128xf32, #tpu.memory_space<hbm>>
      %dma_start3A_224 = arith.constant 0 : i32
      %dma_start3A_225 = tpu.memref_slice %arg6[%arg0, %add3A_212, %dma_start3A_224] : memref<2x10240x128xf32, #tpu.memory_space<hbm>> -> memref<1x128x128xf32, #tpu.memory_space<hbm>>
      %dma_start3A_226 = tpu.memref_squeeze %dma_start3A_225 : memref<1x128x128xf32, #tpu.memory_space<hbm>> -> memref<128x128xf32, #tpu.memory_space<hbm>>
      tpu.enqueue_dma source(%arg11 : memref<128x128xf32, #tpu.memory_space<vmem>>) target(%dma_start3A_226 : memref<128x128xf32, #tpu.memory_space<hbm>>) target_semaphore(%run_scoped3A : memref<!tpu.dma_semaphore, #tpu.memory_space<semaphore_mem>>)
      %dma_wait3A_227 = arith.constant 0 : i32
      %dma_wait3A_228 = tpu.memref_slice %arg6[%arg0, %add3A_212, %dma_wait3A_227] : memref<2x10240x128xf32, #tpu.memory_space<hbm>> -> memref<1x128x128xf32, #tpu.memory_space<hbm>>
      %dma_wait3A_229 = tpu.memref_squeeze %dma_wait3A_228 : memref<1x128x128xf32, #tpu.memory_space<hbm>> -> memref<128x128xf32, #tpu.memory_space<hbm>>
      %dma_wait3A_230 = arith.constant 0 : i32
      %dma_wait3A_231 = tpu.memref_slice %arg6[%arg0, %add3A_212, %dma_wait3A_230] : memref<2x10240x128xf32, #tpu.memory_space<hbm>> -> memref<1x128x128xf32, #tpu.memory_space<hbm>>
      %dma_wait3A_232 = tpu.memref_squeeze %dma_wait3A_231 : memref<1x128x128xf32, #tpu.memory_space<hbm>> -> memref<128x128xf32, #tpu.memory_space<hbm>>
      tpu.wait_dma2 semaphore(%run_scoped3A : memref<!tpu.dma_semaphore, #tpu.memory_space<semaphore_mem>>) src(%arg11 : memref<128x128xf32, #tpu.memory_space<vmem>>) dst(%dma_wait3A_232 : memref<128x128xf32, #tpu.memory_space<hbm>>)
      tpu.yield
    }) : () -> ()
    %mul3A_213 = arith.constant 640 : i32
    %mul3A_214 = arith.muli %arg1, %mul3A_213 : i32
    %add3A_215 = arith.constant 384 : i32
    %add3A_216 = arith.addi %mul3A_214, %add3A_215 : i32
    "tpu.region"() ({
      %run_scoped3A = tpu.sem_alloc : memref<!tpu.dma_semaphore, #tpu.memory_space<semaphore_mem>>
      %dma_start3A_221 = arith.constant 0 : i32
      %dma_start3A_222 = tpu.memref_slice %arg13[%add3A_216, %dma_start3A_221] : memref<10240x128xf32, #tpu.memory_space<vmem_shared>> -> memref<128x128xf32, #tpu.memory_space<vmem_shared>>
      %dma_start3A_223 = arith.constant 0 : i32
      %dma_start3A_224 = tpu.memref_slice %arg13[%add3A_216, %dma_start3A_223] : memref<10240x128xf32, #tpu.memory_space<vmem_shared>> -> memref<128x128xf32, #tpu.memory_space<vmem_shared>>
      tpu.enqueue_dma source(%dma_start3A_224 : memref<128x128xf32, #tpu.memory_space<vmem_shared>>) target(%arg11 : memref<128x128xf32, #tpu.memory_space<vmem>>) target_semaphore(%run_scoped3A : memref<!tpu.dma_semaphore, #tpu.memory_space<semaphore_mem>>)
      %dma_wait3A_225 = arith.constant 0 : i32
      %dma_wait3A_226 = tpu.memref_slice %arg13[%add3A_216, %dma_wait3A_225] : memref<10240x128xf32, #tpu.memory_space<vmem_shared>> -> memref<128x128xf32, #tpu.memory_space<vmem_shared>>
      %dma_wait3A_227 = arith.constant 0 : i32
      %dma_wait3A_228 = tpu.memref_slice %arg13[%add3A_216, %dma_wait3A_227] : memref<10240x128xf32, #tpu.memory_space<vmem_shared>> -> memref<128x128xf32, #tpu.memory_space<vmem_shared>>
      tpu.wait_dma2 semaphore(%run_scoped3A : memref<!tpu.dma_semaphore, #tpu.memory_space<semaphore_mem>>) src(%dma_wait3A_228 : memref<128x128xf32, #tpu.memory_space<vmem_shared>>) dst(%arg11 : memref<128x128xf32, #tpu.memory_space<vmem>>)
      tpu.yield
    }) : () -> ()
    "tpu.region"() ({
      %run_scoped3A = tpu.sem_alloc : memref<!tpu.dma_semaphore, #tpu.memory_space<semaphore_mem>>
      %dma_start3A_221 = arith.constant 0 : i32
      %dma_start3A_222 = tpu.memref_slice %arg6[%arg0, %add3A_216, %dma_start3A_221] : memref<2x10240x128xf32, #tpu.memory_space<hbm>> -> memref<1x128x128xf32, #tpu.memory_space<hbm>>
      %dma_start3A_223 = tpu.memref_squeeze %dma_start3A_222 : memref<1x128x128xf32, #tpu.memory_space<hbm>> -> memref<128x128xf32, #tpu.memory_space<hbm>>
      %dma_start3A_224 = arith.constant 0 : i32
      %dma_start3A_225 = tpu.memref_slice %arg6[%arg0, %add3A_216, %dma_start3A_224] : memref<2x10240x128xf32, #tpu.memory_space<hbm>> -> memref<1x128x128xf32, #tpu.memory_space<hbm>>
      %dma_start3A_226 = tpu.memref_squeeze %dma_start3A_225 : memref<1x128x128xf32, #tpu.memory_space<hbm>> -> memref<128x128xf32, #tpu.memory_space<hbm>>
      tpu.enqueue_dma source(%arg11 : memref<128x128xf32, #tpu.memory_space<vmem>>) target(%dma_start3A_226 : memref<128x128xf32, #tpu.memory_space<hbm>>) target_semaphore(%run_scoped3A : memref<!tpu.dma_semaphore, #tpu.memory_space<semaphore_mem>>)
      %dma_wait3A_227 = arith.constant 0 : i32
      %dma_wait3A_228 = tpu.memref_slice %arg6[%arg0, %add3A_216, %dma_wait3A_227] : memref<2x10240x128xf32, #tpu.memory_space<hbm>> -> memref<1x128x128xf32, #tpu.memory_space<hbm>>
      %dma_wait3A_229 = tpu.memref_squeeze %dma_wait3A_228 : memref<1x128x128xf32, #tpu.memory_space<hbm>> -> memref<128x128xf32, #tpu.memory_space<hbm>>
      %dma_wait3A_230 = arith.constant 0 : i32
      %dma_wait3A_231 = tpu.memref_slice %arg6[%arg0, %add3A_216, %dma_wait3A_230] : memref<2x10240x128xf32, #tpu.memory_space<hbm>> -> memref<1x128x128xf32, #tpu.memory_space<hbm>>
      %dma_wait3A_232 = tpu.memref_squeeze %dma_wait3A_231 : memref<1x128x128xf32, #tpu.memory_space<hbm>> -> memref<128x128xf32, #tpu.memory_space<hbm>>
      tpu.wait_dma2 semaphore(%run_scoped3A : memref<!tpu.dma_semaphore, #tpu.memory_space<semaphore_mem>>) src(%arg11 : memref<128x128xf32, #tpu.memory_space<vmem>>) dst(%dma_wait3A_232 : memref<128x128xf32, #tpu.memory_space<hbm>>)
      tpu.yield
    }) : () -> ()
    %mul3A_217 = arith.constant 640 : i32
    %mul3A_218 = arith.muli %arg1, %mul3A_217 : i32
    %add3A_219 = arith.constant 512 : i32
    %add3A_220 = arith.addi %mul3A_218, %add3A_219 : i32
    "tpu.region"() ({
      %run_scoped3A = tpu.sem_alloc : memref<!tpu.dma_semaphore, #tpu.memory_space<semaphore_mem>>
      %dma_start3A_221 = arith.constant 0 : i32
      %dma_start3A_222 = tpu.memref_slice %arg13[%add3A_220, %dma_start3A_221] : memref<10240x128xf32, #tpu.memory_space<vmem_shared>> -> memref<128x128xf32, #tpu.memory_space<vmem_shared>>
      %dma_start3A_223 = arith.constant 0 : i32
      %dma_start3A_224 = tpu.memref_slice %arg13[%add3A_220, %dma_start3A_223] : memref<10240x128xf32, #tpu.memory_space<vmem_shared>> -> memref<128x128xf32, #tpu.memory_space<vmem_shared>>
      tpu.enqueue_dma source(%dma_start3A_224 : memref<128x128xf32, #tpu.memory_space<vmem_shared>>) target(%arg11 : memref<128x128xf32, #tpu.memory_space<vmem>>) target_semaphore(%run_scoped3A : memref<!tpu.dma_semaphore, #tpu.memory_space<semaphore_mem>>)
      %dma_wait3A_225 = arith.constant 0 : i32
      %dma_wait3A_226 = tpu.memref_slice %arg13[%add3A_220, %dma_wait3A_225] : memref<10240x128xf32, #tpu.memory_space<vmem_shared>> -> memref<128x128xf32, #tpu.memory_space<vmem_shared>>
      %dma_wait3A_227 = arith.constant 0 : i32
      %dma_wait3A_228 = tpu.memref_slice %arg13[%add3A_220, %dma_wait3A_227] : memref<10240x128xf32, #tpu.memory_space<vmem_shared>> -> memref<128x128xf32, #tpu.memory_space<vmem_shared>>
      tpu.wait_dma2 semaphore(%run_scoped3A : memref<!tpu.dma_semaphore, #tpu.memory_space<semaphore_mem>>) src(%dma_wait3A_228 : memref<128x128xf32, #tpu.memory_space<vmem_shared>>) dst(%arg11 : memref<128x128xf32, #tpu.memory_space<vmem>>)
      tpu.yield
    }) : () -> ()
    "tpu.region"() ({
      %run_scoped3A = tpu.sem_alloc : memref<!tpu.dma_semaphore, #tpu.memory_space<semaphore_mem>>
      %dma_start3A_221 = arith.constant 0 : i32
      %dma_start3A_222 = tpu.memref_slice %arg6[%arg0, %add3A_220, %dma_start3A_221] : memref<2x10240x128xf32, #tpu.memory_space<hbm>> -> memref<1x128x128xf32, #tpu.memory_space<hbm>>
      %dma_start3A_223 = tpu.memref_squeeze %dma_start3A_222 : memref<1x128x128xf32, #tpu.memory_space<hbm>> -> memref<128x128xf32, #tpu.memory_space<hbm>>
      %dma_start3A_224 = arith.constant 0 : i32
      %dma_start3A_225 = tpu.memref_slice %arg6[%arg0, %add3A_220, %dma_start3A_224] : memref<2x10240x128xf32, #tpu.memory_space<hbm>> -> memref<1x128x128xf32, #tpu.memory_space<hbm>>
      %dma_start3A_226 = tpu.memref_squeeze %dma_start3A_225 : memref<1x128x128xf32, #tpu.memory_space<hbm>> -> memref<128x128xf32, #tpu.memory_space<hbm>>
      tpu.enqueue_dma source(%arg11 : memref<128x128xf32, #tpu.memory_space<vmem>>) target(%dma_start3A_226 : memref<128x128xf32, #tpu.memory_space<hbm>>) target_semaphore(%run_scoped3A : memref<!tpu.dma_semaphore, #tpu.memory_space<semaphore_mem>>)
      %dma_wait3A_227 = arith.constant 0 : i32
      %dma_wait3A_228 = tpu.memref_slice %arg6[%arg0, %add3A_220, %dma_wait3A_227] : memref<2x10240x128xf32, #tpu.memory_space<hbm>> -> memref<1x128x128xf32, #tpu.memory_space<hbm>>
      %dma_wait3A_229 = tpu.memref_squeeze %dma_wait3A_228 : memref<1x128x128xf32, #tpu.memory_space<hbm>> -> memref<128x128xf32, #tpu.memory_space<hbm>>
      %dma_wait3A_230 = arith.constant 0 : i32
      %dma_wait3A_231 = tpu.memref_slice %arg6[%arg0, %add3A_220, %dma_wait3A_230] : memref<2x10240x128xf32, #tpu.memory_space<hbm>> -> memref<1x128x128xf32, #tpu.memory_space<hbm>>
      %dma_wait3A_232 = tpu.memref_squeeze %dma_wait3A_231 : memref<1x128x128xf32, #tpu.memory_space<hbm>> -> memref<128x128xf32, #tpu.memory_space<hbm>>
      tpu.wait_dma2 semaphore(%run_scoped3A : memref<!tpu.dma_semaphore, #tpu.memory_space<semaphore_mem>>) src(%arg11 : memref<128x128xf32, #tpu.memory_space<vmem>>) dst(%dma_wait3A_232 : memref<128x128xf32, #tpu.memory_space<hbm>>)
      tpu.yield
    }) : () -> ()
    return
  }
}

module attributes {stable_mosaic.version = 14 : i64} {
  func.func @_g_body(%arg0: i32, %arg1: memref<1024x128xf32, #tpu.memory_space<vmem>>, %arg2: memref<128x128xf32, #tpu.memory_space<vmem>>, %arg3: memref<2x1024xf32, #tpu.memory_space<vmem>>, %arg4: memref<1024x128xf32, #tpu.memory_space<vmem>>) attributes {dimension_semantics = [#tpu.dimension_semantics<arbitrary>], iteration_bounds = array<i64: 10>, scalar_prefetch = 0 : i64, scratch_operands = 0 : i64, tpu.core_type = #tpu.core_type<tc>, window_params = [{transform_indices = @transform_0, window_bounds = array<i64: 1024, 128>}, {pipeline_mode = #tpu.pipeline_mode<synchronous>, transform_indices = @transform_1, window_bounds = array<i64: 128, 128>}, {transform_indices = @transform_2, window_bounds = array<i64: 2, 1024>}, {transform_indices = @transform_3, window_bounds = array<i64: 1024, 128>}]} {
    %get3A = arith.constant 0 : index
    %get3A_0 = arith.constant 0 : index
    %get3A_1 = vector.load %arg1[%get3A, %get3A_0] : memref<1024x128xf32, #tpu.memory_space<vmem>>, vector<1024x128xf32>
    %get3A_2 = arith.constant 0 : index
    %get3A_3 = arith.constant 0 : index
    %get3A_4 = vector.load %arg2[%get3A_2, %get3A_3] : memref<128x128xf32, #tpu.memory_space<vmem>>, vector<128x128xf32>
    %dot_general3A = arith.constant dense<0.000000e+00> : vector<1024x128xf32>
    %dot_general3A_5 = tpu.matmul %get3A_1, %get3A_4, %dot_general3A {dimension_numbers = #tpu.dot_dimension_numbers<[1], [1], [0], [0], [0, 0, 1, 0], [], []>, transpose_lhs_hint = false} : vector<1024x128xf32>, vector<128x128xf32>, vector<1024x128xf32> -> vector<1024x128xf32>
    %get3A_6 = arith.constant 0 : index
    %get3A_7 = arith.constant 0 : index
    %get3A_8 = vector.load %arg3[%get3A_6, %get3A_7] : memref<2x1024xf32, #tpu.memory_space<vmem>>, vector<1x1024xf32>
    %get3A_9 = vector.shape_cast %get3A_8 : vector<1x1024xf32> to vector<1024xf32>
    %add3A = arith.constant 1.000000e+00 : f32
    %add3A_10 = vector.broadcast %add3A : f32 to vector<1024xf32>
    %add3A_11 = arith.addf %add3A_10, %get3A_9 : vector<1024xf32>
    %get3A_12 = arith.constant 1 : index
    %get3A_13 = arith.constant 0 : index
    %get3A_14 = vector.load %arg3[%get3A_12, %get3A_13] : memref<2x1024xf32, #tpu.memory_space<vmem>>, vector<1x1024xf32>
    %get3A_15 = vector.shape_cast %get3A_14 : vector<1x1024xf32> to vector<1024xf32>
    %add3A_16 = arith.addf %add3A_11, %get3A_15 : vector<1024xf32>
    %rsqrt3A = math.rsqrt %add3A_16 : vector<1024xf32>
    %broadcast_in_dim3A = vector.shape_cast %rsqrt3A : vector<1024xf32> to vector<1024x1xf32>
    %mul3A = vector.broadcast %broadcast_in_dim3A : vector<1024x1xf32> to vector<1024x128xf32>
    %mul3A_17 = arith.mulf %dot_general3A_5, %mul3A : vector<1024x128xf32>
    %swap3A = arith.constant 0 : index
    %swap3A_18 = arith.constant 0 : index
    %swap3A_19 = vector.load %arg4[%swap3A, %swap3A_18] : memref<1024x128xf32, #tpu.memory_space<vmem>>, vector<1024x128xf32>
    tpu.vector_store %arg4[%swap3A, %swap3A_18], %mul3A_17 {strides = array<i32>} : memref<1024x128xf32, #tpu.memory_space<vmem>>, vector<1024x128xf32>,
    return
  }
  func.func @transform_0(%arg0: i32) -> (i32, i32) {
    %c0_i32 = arith.constant 0 : i32
    %c0_i32_0 = arith.constant 0 : i32
    return %arg0, %c0_i32 : i32, i32
  }
  func.func @transform_1(%arg0: i32) -> (i32, i32) {
    %c0_i32 = arith.constant 0 : i32
    %c0_i32_0 = arith.constant 0 : i32
    %c0_i32_1 = arith.constant 0 : i32
    return %c0_i32, %c0_i32_0 : i32, i32
  }
  func.func @transform_2(%arg0: i32) -> (i32, i32) {
    %c0_i32 = arith.constant 0 : i32
    %c0_i32_0 = arith.constant 0 : i32
    return %c0_i32, %arg0 : i32, i32
  }
  func.func @transform_3(%arg0: i32) -> (i32, i32) {
    %c0_i32 = arith.constant 0 : i32
    %c0_i32_0 = arith.constant 0 : i32
    return %arg0, %c0_i32 : i32, i32
  }
}

module attributes {stable_mosaic.version = 14 : i64} {
  func.func @_z_body(%arg0: i32, %arg1: memref<2x1024x128xf32, #tpu.memory_space<vmem>>, %arg2: memref<1024x128xf32, #tpu.memory_space<vmem>>, %arg3: memref<2x1024xf32, #tpu.memory_space<vmem>>, %arg4: memref<1x128xf32, #tpu.memory_space<vmem>>, %arg5: memref<1024x128xf32, #tpu.memory_space<vmem>>, %arg6: memref<8x128xf32, #tpu.memory_space<vmem>>) attributes {dimension_semantics = [#tpu.dimension_semantics<arbitrary>], iteration_bounds = array<i64: 10>, scalar_prefetch = 0 : i64, scratch_operands = 0 : i64, tpu.core_type = #tpu.core_type<tc>, window_params = [{transform_indices = @transform_0, window_bounds = array<i64: 2, 1024, 128>}, {transform_indices = @transform_1, window_bounds = array<i64: 1024, 128>}, {transform_indices = @transform_2, window_bounds = array<i64: 2, 1024>}, {pipeline_mode = #tpu.pipeline_mode<synchronous>, transform_indices = @transform_3, window_bounds = array<i64: 1, 128>}, {transform_indices = @transform_4, window_bounds = array<i64: 1024, 128>}, {pipeline_mode = #tpu.pipeline_mode<synchronous>, transform_indices = @transform_5, window_bounds = array<i64: 8, 128>}]} {
    %get3A = arith.constant 0 : index
    %get3A_0 = arith.constant 0 : index
    %get3A_1 = vector.load %arg3[%get3A, %get3A_0] : memref<2x1024xf32, #tpu.memory_space<vmem>>, vector<1x1024xf32>
    %get3A_2 = vector.shape_cast %get3A_1 : vector<1x1024xf32> to vector<1024xf32>
    %add3A = arith.constant 1.000000e+00 : f32
    %add3A_3 = vector.broadcast %add3A : f32 to vector<1024xf32>
    %add3A_4 = arith.addf %add3A_3, %get3A_2 : vector<1024xf32>
    %get3A_5 = arith.constant 1 : index
    %get3A_6 = arith.constant 0 : index
    %get3A_7 = vector.load %arg3[%get3A_5, %get3A_6] : memref<2x1024xf32, #tpu.memory_space<vmem>>, vector<1x1024xf32>
    %get3A_8 = vector.shape_cast %get3A_7 : vector<1x1024xf32> to vector<1024xf32>
    %add3A_9 = arith.addf %add3A_4, %get3A_8 : vector<1024xf32>
    %rsqrt3A = math.rsqrt %add3A_9 : vector<1024xf32>
    %get3A_10 = arith.constant 0 : index
    %get3A_11 = arith.constant 0 : index
    %get3A_12 = arith.constant 0 : index
    %get3A_13 = vector.load %arg1[%get3A_10, %get3A_11, %get3A_12] : memref<2x1024x128xf32, #tpu.memory_space<vmem>>, vector<1x1024x128xf32>
    %get3A_14 = vector.shape_cast %get3A_13 : vector<1x1024x128xf32> to vector<1024x128xf32>
    %get3A_15 = arith.constant 1 : index
    %get3A_16 = arith.constant 0 : index
    %get3A_17 = arith.constant 0 : index
    %get3A_18 = vector.load %arg1[%get3A_15, %get3A_16, %get3A_17] : memref<2x1024x128xf32, #tpu.memory_space<vmem>>, vector<1x1024x128xf32>
    %get3A_19 = vector.shape_cast %get3A_18 : vector<1x1024x128xf32> to vector<1024x128xf32>
    %add3A_20 = arith.addf %get3A_14, %get3A_19 : vector<1024x128xf32>
    %get3A_21 = arith.constant 0 : index
    %get3A_22 = arith.constant 0 : index
    %get3A_23 = vector.load %arg2[%get3A_21, %get3A_22] : memref<1024x128xf32, #tpu.memory_space<vmem>>, vector<1024x128xf32>
    %add3A_24 = arith.addf %add3A_20, %get3A_23 : vector<1024x128xf32>
    %broadcast_in_dim3A = vector.shape_cast %rsqrt3A : vector<1024xf32> to vector<1024x1xf32>
    %mul3A = vector.broadcast %broadcast_in_dim3A : vector<1024x1xf32> to vector<1024x128xf32>
    %mul3A_25 = arith.mulf %add3A_24, %mul3A : vector<1024x128xf32>
    %get3A_26 = arith.constant 0 : index
    %get3A_27 = arith.constant 0 : index
    %get3A_28 = vector.load %arg4[%get3A_26, %get3A_27] : memref<1x128xf32, #tpu.memory_space<vmem>>, vector<1x128xf32>
    %add3A_29 = vector.broadcast %get3A_28 : vector<1x128xf32> to vector<1024x128xf32>
    %add3A_30 = arith.addf %mul3A_25, %add3A_29 : vector<1024x128xf32>
    %mul3A_31 = arith.constant 1024 : i32
    %mul3A_32 = arith.muli %arg0, %mul3A_31 : i32
    %iota3A = tpu.iota {dimensions = array<i32: 0>} : vector<1024x128xi32>
    %add3A_33 = vector.broadcast %mul3A_32 : i32 to vector<1024x128xi32>
    %add3A_34 = arith.addi %add3A_33, %iota3A : vector<1024x128xi32>
    %lt3A = arith.constant 10000 : i32
    %lt3A_35 = vector.broadcast %lt3A : i32 to vector<1024x128xi32>
    %lt3A_36 = arith.cmpi slt, %add3A_34, %lt3A_35 : vector<1024x128xi32>
    %jit3A = arith.constant 0.000000e+00 : f32
    %broadcast_in_dim3A_37 = vector.broadcast %jit3A : f32 to vector<1024x128xf32>
    %select_n3A = arith.select %lt3A_36, %add3A_30, %broadcast_in_dim3A_37 : vector<1024x128xi1>, vector<1024x128xf32>
    %swap3A = arith.constant 0 : index
    %swap3A_38 = arith.constant 0 : index
    %swap3A_39 = vector.load %arg5[%swap3A, %swap3A_38] : memref<1024x128xf32, #tpu.memory_space<vmem>>, vector<1024x128xf32>
    tpu.vector_store %arg5[%swap3A, %swap3A_38], %select_n3A {strides = array<i32>} : memref<1024x128xf32, #tpu.memory_space<vmem>>, vector<1024x128xf32>,
    %eq3A = arith.constant 0 : i32
    %eq3A_40 = arith.cmpi eq, %arg0, %eq3A : i32
    %convert_element_type3A = arith.extui %eq3A_40 : i1 to i32
    %cond3A = arith.constant 0 : i32
    %cond3A_41 = arith.cmpi ne, %convert_element_type3A, %cond3A : i32
    scf.if %cond3A_41 {
      %broadcast_in_dim3A_57 = arith.constant 0.000000e+00 : f32
      %broadcast_in_dim3A_58 = vector.broadcast %broadcast_in_dim3A_57 : f32 to vector<8x128xf32>
      %swap3A_59 = arith.constant 0 : index
      %swap3A_60 = arith.constant 0 : index
      %swap3A_61 = vector.load %arg6[%swap3A_59, %swap3A_60] : memref<8x128xf32, #tpu.memory_space<vmem>>, vector<8x128xf32>
      tpu.vector_store %arg6[%swap3A_59, %swap3A_60], %broadcast_in_dim3A_58 {strides = array<i32>} : memref<8x128xf32, #tpu.memory_space<vmem>>, vector<8x128xf32>,
    } else {
    }
    %reduce_sum3A = arith.constant dense<0.000000e+00> : vector<128xf32>
    %reduce_sum3A_42 = vector.multi_reduction <add>, %select_n3A, %reduce_sum3A [0] : vector<1024x128xf32> to vector<128xf32>
    %broadcast_in_dim3A_43 = vector.shape_cast %reduce_sum3A_42 : vector<128xf32> to vector<1x128xf32>
    %mul3A_44 = arith.mulf %select_n3A, %select_n3A : vector<1024x128xf32>
    %reduce_sum3A_45 = arith.constant dense<0.000000e+00> : vector<128xf32>
    %reduce_sum3A_46 = vector.multi_reduction <add>, %mul3A_44, %reduce_sum3A_45 [0] : vector<1024x128xf32> to vector<128xf32>
    %broadcast_in_dim3A_47 = vector.shape_cast %reduce_sum3A_46 : vector<128xf32> to vector<1x128xf32>
    %broadcast_in_dim3A_48 = arith.constant 0.000000e+00 : f32
    %broadcast_in_dim3A_49 = vector.broadcast %broadcast_in_dim3A_48 : f32 to vector<6x128xf32>
    %get3A_50 = arith.constant 0 : index
    %get3A_51 = arith.constant 0 : index
    %get3A_52 = vector.load %arg6[%get3A_50, %get3A_51] : memref<8x128xf32, #tpu.memory_space<vmem>>, vector<8x128xf32>
    %concatenate3A = tpu.concatenate %broadcast_in_dim3A_43, %broadcast_in_dim3A_47, %broadcast_in_dim3A_49 in 0 : vector<1x128xf32>, vector<1x128xf32>, vector<6x128xf32> -> vector<8x128xf32>
    %add3A_53 = arith.addf %get3A_52, %concatenate3A : vector<8x128xf32>
    %swap3A_54 = arith.constant 0 : index
    %swap3A_55 = arith.constant 0 : index
    %swap3A_56 = vector.load %arg6[%swap3A_54, %swap3A_55] : memref<8x128xf32, #tpu.memory_space<vmem>>, vector<8x128xf32>
    tpu.vector_store %arg6[%swap3A_54, %swap3A_55], %add3A_53 {strides = array<i32>} : memref<8x128xf32, #tpu.memory_space<vmem>>, vector<8x128xf32>,
    return
  }
  func.func @transform_0(%arg0: i32) -> (i32, i32, i32) {
    %c0_i32 = arith.constant 0 : i32
    %c0_i32_0 = arith.constant 0 : i32
    %c0_i32_1 = arith.constant 0 : i32
    return %c0_i32, %arg0, %c0_i32_0 : i32, i32, i32
  }
  func.func @transform_1(%arg0: i32) -> (i32, i32) {
    %c0_i32 = arith.constant 0 : i32
    %c0_i32_0 = arith.constant 0 : i32
    return %arg0, %c0_i32 : i32, i32
  }
  func.func @transform_2(%arg0: i32) -> (i32, i32) {
    %c0_i32 = arith.constant 0 : i32
    %c0_i32_0 = arith.constant 0 : i32
    return %c0_i32, %arg0 : i32, i32
  }
  func.func @transform_3(%arg0: i32) -> (i32, i32) {
    %c0_i32 = arith.constant 0 : i32
    %c0_i32_0 = arith.constant 0 : i32
    %c0_i32_1 = arith.constant 0 : i32
    return %c0_i32, %c0_i32_0 : i32, i32
  }
  func.func @transform_4(%arg0: i32) -> (i32, i32) {
    %c0_i32 = arith.constant 0 : i32
    %c0_i32_0 = arith.constant 0 : i32
    return %arg0, %c0_i32 : i32, i32
  }
  func.func @transform_5(%arg0: i32) -> (i32, i32) {
    %c0_i32 = arith.constant 0 : i32
    %c0_i32_0 = arith.constant 0 : i32
    %c0_i32_1 = arith.constant 0 : i32
    return %c0_i32, %c0_i32_0 : i32, i32
  }
}

module attributes {stable_mosaic.version = 14 : i64} {
  func.func @_bn_body(%arg0: i32, %arg1: memref<1024x128xf32, #tpu.memory_space<vmem>>, %arg2: memref<8x128xf32, #tpu.memory_space<vmem>>, %arg3: memref<1x128xf32, #tpu.memory_space<vmem>>, %arg4: memref<1x128xf32, #tpu.memory_space<vmem>>, %arg5: memref<1024x128xf32, #tpu.memory_space<vmem>>) attributes {dimension_semantics = [#tpu.dimension_semantics<arbitrary>], iteration_bounds = array<i64: 10>, scalar_prefetch = 0 : i64, scratch_operands = 0 : i64, tpu.core_type = #tpu.core_type<tc>, window_params = [{transform_indices = @transform_0, window_bounds = array<i64: 1024, 128>}, {pipeline_mode = #tpu.pipeline_mode<synchronous>, transform_indices = @transform_1, window_bounds = array<i64: 8, 128>}, {pipeline_mode = #tpu.pipeline_mode<synchronous>, transform_indices = @transform_2, window_bounds = array<i64: 1, 128>}, {pipeline_mode = #tpu.pipeline_mode<synchronous>, transform_indices = @transform_3, window_bounds = array<i64: 1, 128>}, {transform_indices = @transform_4, window_bounds = array<i64: 1024, 128>}]} {
    %get3A = arith.constant 0 : index
    %get3A_0 = arith.constant 0 : index
    %get3A_1 = vector.load %arg2[%get3A, %get3A_0] : memref<8x128xf32, #tpu.memory_space<vmem>>, vector<1x128xf32>
    %get3A_2 = vector.shape_cast %get3A_1 : vector<1x128xf32> to vector<128xf32>
    %div3A = arith.constant 1.000000e+04 : f32
    %div3A_3 = vector.broadcast %div3A : f32 to vector<128xf32>
    %div3A_4 = arith.divf %get3A_2, %div3A_3 : vector<128xf32>
    %get3A_5 = arith.constant 1 : index
    %get3A_6 = arith.constant 0 : index
    %get3A_7 = vector.load %arg2[%get3A_5, %get3A_6] : memref<8x128xf32, #tpu.memory_space<vmem>>, vector<1x128xf32>
    %get3A_8 = vector.shape_cast %get3A_7 : vector<1x128xf32> to vector<128xf32>
    %div3A_9 = arith.constant 1.000000e+04 : f32
    %div3A_10 = vector.broadcast %div3A_9 : f32 to vector<128xf32>
    %div3A_11 = arith.divf %get3A_8, %div3A_10 : vector<128xf32>
    %mul3A = arith.mulf %div3A_4, %div3A_4 : vector<128xf32>
    %sub3A = arith.subf %div3A_11, %mul3A : vector<128xf32>
    %get3A_12 = arith.constant 0 : index
    %get3A_13 = arith.constant 0 : index
    %get3A_14 = vector.load %arg3[%get3A_12, %get3A_13] : memref<1x128xf32, #tpu.memory_space<vmem>>, vector<1x128xf32>
    %get3A_15 = vector.shape_cast %get3A_14 : vector<1x128xf32> to vector<128xf32>
    %add3A = arith.constant 9.99999974E-6 : f32
    %add3A_16 = vector.broadcast %add3A : f32 to vector<128xf32>
    %add3A_17 = arith.addf %sub3A, %add3A_16 : vector<128xf32>
    %rsqrt3A = math.rsqrt %add3A_17 : vector<128xf32>
    %mul3A_18 = arith.mulf %get3A_15, %rsqrt3A : vector<128xf32>
    %get3A_19 = arith.constant 0 : index
    %get3A_20 = arith.constant 0 : index
    %get3A_21 = vector.load %arg4[%get3A_19, %get3A_20] : memref<1x128xf32, #tpu.memory_space<vmem>>, vector<1x128xf32>
    %get3A_22 = vector.shape_cast %get3A_21 : vector<1x128xf32> to vector<128xf32>
    %mul3A_23 = arith.mulf %div3A_4, %mul3A_18 : vector<128xf32>
    %sub3A_24 = arith.subf %get3A_22, %mul3A_23 : vector<128xf32>
    %get3A_25 = arith.constant 0 : index
    %get3A_26 = arith.constant 0 : index
    %get3A_27 = vector.load %arg1[%get3A_25, %get3A_26] : memref<1024x128xf32, #tpu.memory_space<vmem>>, vector<1024x128xf32>
    %broadcast_in_dim3A = vector.shape_cast %mul3A_18 : vector<128xf32> to vector<1x128xf32>
    %mul3A_28 = vector.broadcast %broadcast_in_dim3A : vector<1x128xf32> to vector<1024x128xf32>
    %mul3A_29 = arith.mulf %get3A_27, %mul3A_28 : vector<1024x128xf32>
    %broadcast_in_dim3A_30 = vector.shape_cast %sub3A_24 : vector<128xf32> to vector<1x128xf32>
    %add3A_31 = vector.broadcast %broadcast_in_dim3A_30 : vector<1x128xf32> to vector<1024x128xf32>
    %add3A_32 = arith.addf %mul3A_29, %add3A_31 : vector<1024x128xf32>
    %max3A = arith.constant 0.000000e+00 : f32
    %max3A_33 = vector.broadcast %max3A : f32 to vector<1024x128xf32>
    %max3A_34 = arith.maximumf %add3A_32, %max3A_33 : vector<1024x128xf32>
    %swap3A = arith.constant 0 : index
    %swap3A_35 = arith.constant 0 : index
    %swap3A_36 = vector.load %arg5[%swap3A, %swap3A_35] : memref<1024x128xf32, #tpu.memory_space<vmem>>, vector<1024x128xf32>
    tpu.vector_store %arg5[%swap3A, %swap3A_35], %max3A_34 {strides = array<i32>} : memref<1024x128xf32, #tpu.memory_space<vmem>>, vector<1024x128xf32>,
    return
  }
  func.func @transform_0(%arg0: i32) -> (i32, i32) {
    %c0_i32 = arith.constant 0 : i32
    %c0_i32_0 = arith.constant 0 : i32
    return %arg0, %c0_i32 : i32, i32
  }
  func.func @transform_1(%arg0: i32) -> (i32, i32) {
    %c0_i32 = arith.constant 0 : i32
    %c0_i32_0 = arith.constant 0 : i32
    %c0_i32_1 = arith.constant 0 : i32
    return %c0_i32, %c0_i32_0 : i32, i32
  }
  func.func @transform_2(%arg0: i32) -> (i32, i32) {
    %c0_i32 = arith.constant 0 : i32
    %c0_i32_0 = arith.constant 0 : i32
    %c0_i32_1 = arith.constant 0 : i32
    return %c0_i32, %c0_i32_0 : i32, i32
  }
  func.func @transform_3(%arg0: i32) -> (i32, i32) {
    %c0_i32 = arith.constant 0 : i32
    %c0_i32_0 = arith.constant 0 : i32
    %c0_i32_1 = arith.constant 0 : i32
    return %c0_i32, %c0_i32_0 : i32, i32
  }
  func.func @transform_4(%arg0: i32) -> (i32, i32) {
    %c0_i32 = arith.constant 0 : i32
    %c0_i32_0 = arith.constant 0 : i32
    return %arg0, %c0_i32 : i32, i32
  }
}

</mosaic_0001>

<sc_bundles>
// kernel: kernel.10.cloned.1.call-start
scs
__scs_entry_jumppad:
0x0: {  	(pc) =	sbr.rel $0x88, $3  }
0x1: {  	(tag) =	ssettag $0x0;
	lr =	simm.s32 $0x1  }
0x2: {  	[smem:$0x3F9B] =	sst lr;
	_ =	strace $0xD0000000  }
0x3: {  	_ = 	snop  }
0x4: {  	_ = 	snop  }
0x5: {  	_ = 	snop  }
0x6: {  	_ = 	snop  }
0x7: {  	_ = 	snop  }
__scs_overlays_trampoline_lowered:
0x8: {  	[smem:$0x3FAA] =	sst s0  }
0x9: {  	[smem:$0x3FAB] =	sst s1  }
0xa: {  	[smem:$0x3FAC] =	sst s2  }
0xb: {  	[smem:$0x3FAD] =	sst s3  }
0xc: {  	[smem:$0x3FAE] =	sst s4  }
0xd: {  	[smem:$0x3FAF] =	sst s5  }
0xe: {  	[smem:$0x3FB0] =	sst s6  }
0xf: {  	[smem:$0x3FB1] =	sst s7  }
0x10: {  	[smem:$0x3FB2] =	sst s8  }
0x11: {  	[smem:$0x3FB3] =	sst s9;
	s0 =	simm.s32 @!p0 $0x0  }
0x12: {  	s1 =	sld [smem:$0x3F99];
	s0 =	simm.s32 @p0 $0x1  }
0x13: {  	[smem:$0x3FB4] =	sst s0;
	s0 =	simm.s32 @!p1 $0x0  }
0x14: {  	s2 =	sld [smem:$0x3F98];
	s0 =	simm.s32 @p1 $0x1  }
0x15: {  	[smem:$0x3FB5] =	sst s0;
	s0 =	simm.s32 @!p2 $0x0  }
0x16: {  	s3 =	sld [smem:$0x3FDB];
	s0 =	simm.s32 @p2 $0x1  }
0x17: {  	s4 =	simm.s32 $0x1BF5;
	[smem:$0x3FB7] =	sst s0  }
0x18: {  	s0 =	sld [smem:$0x3F9A];
	_ =	swait.ge [sflag:s4], $0x0  }
0x19: {  	s7 =	sld [smem:$0x3F9B]  }
0x1a: {  	s8 =	sadd.s32 $0xFFFFE003, lr  }
0x1b: {  	s9 =	sadd.s32 $0xFFFFFEF7, lr;
	s5 =	simm.s32 $0xFFFFFFFF;
	p2 =	slt.u32 s8, $0xFFFFF086  }
0x1c: {  	p1 =	slt.u32 s9, $0xF7A;
	s5 =	simm.s32 @!p2 $0x0  }
0x1d: {  	s5 =	simm.s32 @p1 $0x1;
	p0 =	seq.s32 s7, s2  }
0x1e: {  	s7 =	smul.u32 @!p0 $0xF7A, s2;
	p2 =	seq.s32 @!p0 s5, $0x0  }
0x1f: {  	s9 =	smul.u32 $0xF7A, s1;
	s8 =	simm.s32 @!p0 $0x1BF5;
	p2 =	por !p2, p0  }
0x20: {  	[sflag:s8] =	ssyncset.s32 @!p0 $0xFFFFF086;
	s6 =	sadd.s32 @!p0 s3, s7;
	s7 =	simm.s32 @!p0 $0x108  }
0x21: {  	s3 =	sadd.s32 s3, s9;
	s6 =	sadd.s32 @!p0 $0x88, s6;
	s7 =	simm.s32 @p2 $0x1082  }
0x22: {  	[simem:s7], [sflag:s8] =	dma.local @!p0 [hbm:s6], $0xF7A  }
0x23: {  	s9 =	sor.u32 $0xD0000000, s2;
	s6 =	simm.s32 $0x108;
	_ =	swait.ge @!p0 [sflag:s8], $0x0  }
0x24: {  	s3 =	sadd.s32 $0x88, s3;
	s6 =	simm.s32 @!p1 $0x1082;
	[sflag:s4] =	ssyncset.s32 $0xFFFFF086  }
0x25: {  	[simem:s6], [sflag:s4] =	dma.local [hbm:s3], $0xF7A  }
0x26: {  	[smem:$0x3F9B] =	sst s1;
	(tag) =	ssettag s2;
	_ =	strace s9  }
0x27: {  	s1 =	sld [smem:$0x3FAB]  }
0x28: {  	s2 =	sld [smem:$0x3FAC]  }
0x29: {  	s4 =	sld [smem:$0x3FAE]  }
0x2a: {  	p0 =	seq.s32 s5, $0x0;
	s5 =	sld [smem:$0x3FAF]  }
0x2b: {  	s6 =	sld [smem:$0x3FB0]  }
0x2c: {  	s7 =	sld [smem:$0x3FB1]  }
0x2d: {  	s3 =	simm.s32 $0x108;
	s8 =	sld [smem:$0x3FB2]  }
0x2e: {  	s3 =	simm.s32 @!p0 $0x1082;
	s9 =	sld [smem:$0x3FB3]  }
0x2f: {  	lr =	sadd.s32 s0, s3;
	s0 =	sld [smem:$0x3FAA]  }
0x30: {  	s3 =	sld [smem:$0x3FAD]  }
0x31: {  	[smem:$0x3FB6] =	sst s10  }
0x32: {  	s10 =	sld [smem:$0x3FB4];
	_ =	sdelay $0x3  }
0x33: {  	p0 =	seq.s32 s10, $0x1;
	s10 =	sld [smem:$0x3FB6];
	_ =	sdelay $0x3  }
0x34: {  	[smem:$0x3FB6] =	sst s10  }
0x35: {  	s10 =	sld [smem:$0x3FB5];
	_ =	sdelay $0x3  }
0x36: {  	p1 =	seq.s32 s10, $0x1;
	s10 =	sld [smem:$0x3FB6];
	_ =	sdelay $0x3  }
0x37: {  	[smem:$0x3FB6] =	sst s10  }
0x38: {  	s10 =	sld [smem:$0x3FB7]  }
0x39: {  	_ = 	snop;
	(pc) =	sbr.ind lr, $3  }
0x3a: {  	_ = 	snop  }
0x3b: {  	_ = 	snop  }
0x3c: {  	p2 =	seq.s32 s10, $0x1;
	s10 =	sld [smem:$0x3FB6]  }
0x3d: {  	_ =	shalt  }
0x3e: {  	_ =	shalt  }
0x3f: {  	_ =	shalt  }
0x40: {  	_ =	shalt  }
0x41: {  	_ =	shalt  }
0x42: {  	_ =	shalt  }
0x43: {  	_ =	shalt  }
0x44: {  	_ =	shalt  }
0x45: {  	_ =	shalt  }
0x46: {  	_ =	shalt  }
0x47: {  	_ =	shalt  }
0x48: {  	_ =	shalt  }
0x49: {  	_ =	shalt  }
0x4a: {  	_ =	shalt  }
0x4b: {  	_ =	shalt  }
0x4c: {  	_ =	shalt  }
0x4d: {  	_ =	shalt  }
0x4e: {  	_ =	shalt  }
0x4f: {  	_ =	shalt  }
0x50: {  	_ =	shalt  }
0x51: {  	_ =	shalt  }
0x52: {  	_ =	shalt  }
0x53: {  	_ =	shalt  }
0x54: {  	_ =	shalt  }
0x55: {  	_ =	shalt  }
0x56: {  	_ =	shalt  }
0x57: {  	_ =	shalt  }
0x58: {  	_ =	shalt  }
0x59: {  	_ =	shalt  }
0x5a: {  	_ =	shalt  }
0x5b: {  	_ =	shalt  }
0x5c: {  	_ =	shalt  }
0x5d: {  	_ =	shalt  }
0x5e: {  	_ =	shalt  }
0x5f: {  	_ =	shalt  }
0x60: {  	_ =	shalt  }
0x61: {  	_ =	shalt  }
0x62: {  	_ =	shalt  }
0x63: {  	_ =	shalt  }
0x64: {  	_ =	shalt  }
0x65: {  	_ =	shalt  }
0x66: {  	_ =	shalt  }
0x67: {  	_ =	shalt  }
0x68: {  	_ =	shalt  }
0x69: {  	_ =	shalt  }
0x6a: {  	_ =	shalt  }
0x6b: {  	_ =	shalt  }
0x6c: {  	_ =	shalt  }
0x6d: {  	_ =	shalt  }
0x6e: {  	_ =	shalt  }
0x6f: {  	_ =	shalt  }
0x70: {  	_ =	shalt  }
0x71: {  	_ =	shalt  }
0x72: {  	_ =	shalt  }
0x73: {  	_ =	shalt  }
0x74: {  	_ =	shalt  }
0x75: {  	_ =	shalt  }
0x76: {  	_ =	shalt  }
0x77: {  	_ =	shalt  }
0x78: {  	_ =	shalt  }
0x79: {  	_ =	shalt  }
0x7a: {  	_ =	shalt  }
0x7b: {  	_ =	shalt  }
0x7c: {  	_ =	shalt  }
0x7d: {  	_ =	shalt  }
0x7e: {  	_ =	shalt  }
0x7f: {  	_ =	shalt  }
0x80: {  	_ =	shalt  }
0x81: {  	_ =	shalt  }
0x82: {  	_ =	shalt  }
0x83: {  	_ =	shalt  }
0x84: {  	_ =	shalt  }
0x85: {  	_ =	shalt  }
0x86: {  	_ =	shalt  }
0x87: {  	_ =	shalt  }
.Lfunc_end0:
.L_simem_size_0:
called_computation.1_lowered:
.L_overlay_start_0:
0x88: {  	s2 =	sld [smem:$0x3FD9]  }
0x89: {  	s3 =	sld [smem:$0x3FFE];
	_ =	sdelay $0x1  }
0x8a: {  	s1 =	srdreg.scid  }
0x8b: {  	s0 =	sand.u32 $0x1, s1  }
0x8c: {  	s17 =	sshll.u32 s0, $0xA;
	s2 =	sadd.s32 s3, s2  }
0x8d: {  	s2 =	sadd.s32 s2, s17  }
0x8e: {  	[smem:$0x3FC2] =	sst s2  }
0x8f: {  	_ = 	snop  }
0x90: {  	s2 =	sld [smem:$0x3FD0];
	(tm) =	ssettm $0x1  }
0x91: {  	s18 =	sld [smem:$0x3FFB];
	_ =	sdelay $0x3  }
0x92: {  	_ =	strace s18  }
0x93: {  	s3 =	sld [smem:$0x3FFC];
	_ =	sdelay $0x3  }
0x94: {  	_ =	strace s3  }
0x95: {  	s3 =	sld [smem:$0x3FFD];
	_ =	sdelay $0x3  }
0x96: {  	_ =	strace s3  }
0x97: {  	_ =	strace $0x8FFFFFFF  }
0x98: {  	s19 =	sld [smem:$0x3FDB];
	_ =	sdelay $0x1  }
0x99: {  	s4 =	simm.s32 $_scs_section_size  }
0x9a: {  	s5 =	simm.s32 $_size__tile_overlayer_lowered;
	s6 =	simm.s32 $_tile_overlayer_lowered  }
0x9b: {  	s22 =	simm.s32 $0x1BFF;
	s21 =	sshll.u32 s6, $0x1;
	s3 =	sadd.s32 s4, s19  }
0x9c: {  	s7 =	simm.s32 $0x0;
	s20 =	sshll.u32 s5, $0x1;
	s5 =	sadd.s32 s21, s3  }
0x9d: {  	[timem:s7], [sflag:s22] =	dma.local [hbm:s5], s20  }
0x9e: {  	_ =	swait.ge [sflag:s22], s20  }
0x9f: {  	s4 =	ssub.s32 $0x0, s20;
	[sflag:s22] =	ssyncset.done $0x0  }
0xa0: {  	[sflag:s22] =	ssyncadd.s32 s4;
	_ =	sdelay $0x1  }
0xa1: {  	s23 =	simm.s32 $0x1B8B  }
0xa2: {  	_ =	swait.ge [sflag:s23], $0x1  }
0xa3: {  	[sflag:s23] =	ssyncset.done $0x0  }
0xa4: {  	s25 =	simm.s32 $0x1B8E;
	s24 =	sld [smem:$0x3FFE];
	[sflag:s23] =	ssyncadd.s32 $0xFFFFFFFF  }
0xa5: {  	s26 =	simm.s32 $execute0_lowered;
	[smem:$0x3FD2] =	sst s25  }
0xa6: {  	s5 =	sshll.u32 s26, $0x1;
	_ =	strace $0x80000049;
	[dreg:$0x1] =	wrdreg $0xFFFFFFFF  }
0xa7: {  	s28 =	simm.s32 $_size_execute0_lowered;
	s3 =	sadd.s32 s3, s5;
	[dreg:$0x0] =	wrdreg $0x0  }
0xa8: {  	s5 =	sshll.u32 s28, $0x1;
	[dreg:$0x2] =	wrdreg s3  }
0xa9: {  	[dreg:$0x3] =	wrdreg s5  }
0xaa: {  	[dreg:$0x4] =	wrdreg $0xC0  }
0xab: {  	_ =	task [dreg:s7], $0x5FFFF  }
0xac: {  	[dreg:$0x1] =	wrdreg $0xFFFFFFFF  }
0xad: {  	[dreg:$0x0] =	wrdreg $0x60  }
0xae: {  	[dreg:$0x2] =	wrdreg s24  }
0xaf: {  	[dreg:$0x3] =	wrdreg s2  }
0xb0: {  	[dreg:$0x4] =	wrdreg $0x82000  }
0xb1: {  	[dreg:$0x5] =	wrdreg $0x9  }
0xb2: {  	_ =	task.clear_ibuf [dreg:s7], $0x6FFFF;
	_ =	strace $0x90000049  }
0xb3: {  	s29 =	simm.s32 $0x9;
	_ =	strace $0x8000004B  }
0xb4: {  	_ =	swait.ge [sflag:s29], $0x1  }
0xb5: {  	[sflag:s29] =	ssyncadd.s32 $0xFFFFFFFF  }
0xb6: {  	_ =	strace $0x9000004B  }
0xb7: {  	_ =	sfence  }
0xb8: {  	s30 =	sld [smem:$0x0];
	_ =	sdelay $0x2  }
0xb9: {  	s31 =	sshll.u32 s1, $0xD;
	s1 =	sshrl.u32 s1, $0x2  }
0xba: {  	s3 =	sand.u32 $0x4000, s31;
	s1 =	sadd.s32 s1, s30  }
0xbb: {  	s0 =	sor.u32 s3, s0;
	s1 =	sshll.u32 s1, $0x11  }
0xbc: {  	s0 =	sor.u32 s1, s0  }
0xbd: {  	s0 =	sadd.s32 $0x8F2B, s0  }
0xbe: {  	[sflag:s0] =	ssyncadd.remote.s32 $0x1  }
0xbf: {  	_ =	sfence.sel $0xFFFF  }
0xc0: {  	[dreg:$0x0] =	wrdreg $0xFFFFFFFF;
	(pc) =	sbr.abs _section_cstart, $3  }
0xc1: {  	[dreg:$0x1] =	wrdreg $0xFFFFFFFF  }
0xc2: {  	_ =	task.clear_ibuf [dreg:s7], $0x2FFFF;
	_ =	strace $0x9FFFFFFF  }
0xc3: {  	(tm) =	ssettm $0x7FFFFFFF  }
tec
execute0_lowered:
.L_overlay_start_1:
0x0: {  	(tag) =	ssettag $0x1  }
0x1: {  	s0 =	rddreg [dreg:$0x0]  }
0x2: {  	s5 =	rddreg [dreg:$0x1]  }
0x3: {  	s1 =	srdreg.scid;
	s2 =	rddreg [dreg:$0x2]  }
0x4: {  	s11 =	stileid.u32;
	s3 =	simm.s32 $0x0;
	s15 =	simm.s32 $0x2D  }
0x5: {  	s28 =	simm.s32 $0x200;
	s29 =	simm.s32 $0x7;
	s30 =	simm.s32 $0x3  }
0x6: {  	s31 =	simm.s32 $0x4;
	s1 =	sand.u32 $0x1, s1;
	s10 =	smul.u32 $0x50000, s11  }
0x7: {  	[smem:$0x7FF] =	sst s3;
	s8 =	sadd.s32 $0x1A00, s0;
	s19 =	smul.u32 $0x14000, s11  }
0x8: {  	s4 =	sshll.u32 s1, $0x4;
	_ =	strace $0x8000004A;
	[dreg:$0x4] =	wrdreg s8  }
0x9: {  	s18 =	ssub.s32 $0x2, s1;
	p0 =	seq.s32 s1, $0x0;
	s1 =	smul.u32 $0x140000, s1  }
0xa: {  	s4 =	sor.u32 s11, s4;
	s9 =	sshrl.u32 s18, $0x1;
	s22 =	sshrl.u32 s10, $0x2  }
0xb: {  	s23 =	sadd.s32 $0x4000, s19;
	s24 =	sadd.s32 $0x8000, s19;
	s16 =	sadd.s32 $0xC000, s19  }
0xc: {  	s17 =	sadd.s32 $0x10000, s19;
	s15 =	simm.s32 @!p0 $0x22;
	s6 =	smul.u32 $0x600, s4  }
0xd: {  	s4 =	sadd.s32 $0xE600, s0;
	s8 =	ssub.s32 s18, s9;
	s10 =	sadd.s32 s22, s2  }
0xe: {  	s11 =	sadd.s32 s23, s2;
	s12 =	sadd.s32 s24, s2;
	s13 =	sadd.s32 s16, s2  }
0xf: {  	s14 =	sadd.s32 s17, s2;
	s9 =	sadd.s32 s19, s1;
	s25 =	sadd.s32 s1, s16  }
0x10: {  	s9 =	sshrl.u32 s9, $0x3;
	s26 =	sshrl.u32 s25, $0x3;
	s25 =	simm.s32 $0x100  }
0x11: {  	s7 =	sadd.s32 s6, s0;
	s0 =	sadd.s32 $0x36600, s0;
	s18 =	sadd.s32 s5, s6  }
0x12: {  	s6 =	sadd.s32 s1, s23;
	s20 =	sadd.s32 $0x2600, s7;
	s21 =	sadd.s32 $0x2610, s7  }
0x13: {  	s5 =	sadd.s32 $0x10, s18;
	s6 =	sshrl.u32 s6, $0x3;
	[dreg:$0x5] =	wrdreg s20  }
0x14: {  	s9 =	sadd.s32 s0, s9;
	s19 =	smov.u32 s18;
	[dreg:$0x6] =	wrdreg s21  }
0x15: {  	s22 =	sadd.s32 $0x20, s18;
	s23 =	sadd.s32 $0x2620, s7;
	[dreg:$0x7] =	wrdreg s5  }
0x16: {  	s7 =	simm.s32 $0x6;
	[dreg:$0x8] =	wrdreg s9;
	s6 =	sadd.s32 s0, s6  }
0x17: {  	s5 =	sadd.s32 s1, s24;
	s1 =	sadd.s32 s1, s17;
	s21 =	smax.u32 s8, $0x1  }
0x18: {  	s24 =	simm.s32 $0x80;
	s9 =	simm.s32 $0x0;
	[dreg:$0x9] =	wrdreg s6  }
0x19: {  	s5 =	sshrl.u32 s5, $0x3;
	s1 =	sshrl.u32 s1, $0x3;
	s6 =	simm.s32 $0x2  }
0x1a: {  	s5 =	sadd.s32 s0, s5;
	s20 =	sadd.s32 s0, s1;
	s1 =	simm.s32 $0x1  }
0x1b: {  	[dreg:$0xa] =	wrdreg s5;
	s5 =	sadd.s32 s0, s26;
	s26 =	simm.s32 $0x180  }
0x1c: {  	s0 =	simm.s32 $0x4200;
	[dreg:$0xb] =	wrdreg s5;
	s5 =	simm.s32 $0x5  }
.LBB2_1:
0x1d: {  	s8 =	rddreg [dreg:$0x5]  }
0x1e: {  	[tilespmem:s3], [sflag:$0x3] =	stream.linear.gather [hbm4b:s8+s3], $0x80, $0x38;
	[tilespmem:$0x1C200] =	vst v63  }
0x1f: {  	s18 =	rddreg [dreg:$0x6]  }
0x20: {  	[tilespmem:s24], [sflag:$0x4] =	stream.linear.gather [hbm4b:s18+s3], $0x80, $0x38;
	[tilespmem:$0x1C200] =	vst v63  }
0x21: {  	_ = 	snop  }
0x22: {  	[tilespmem:s25], [sflag:$0x5] =	stream.linear.gather [hbm4b:s19+s3], $0x80, $0x38;
	[tilespmem:$0x1C200] =	vst v63  }
0x23: {  	s16 =	rddreg [dreg:$0x7]  }
0x24: {  	[tilespmem:s26], [sflag:$0x6] =	stream.linear.gather [hbm4b:s16+s3], $0x80, $0x38;
	[tilespmem:$0x1C200] =	vst v63  }
0x25: {  	s17 =	rddreg [dreg:$0x4]  }
0x26: {  	[tilespmem:s28], [sflag:$0x7] =	stream.linear.gather [hbm4b:s17+s3], $0x4000, $0x38;
	[tilespmem:$0x1C200] =	vst v63  }
0x27: {  	_ =	swait.ge [sflag:s29], $0x4000  }
0x28: {  	[sflag:s29] =	ssyncset.done $0x0  }
0x29: {  	[sflag:s29] =	ssyncadd.s32 $0xFFFFC000  }
0x2a: {  	[spmem:s10] =	stream.linear.scatter [tilespmem:s28], [sflag:$0x7], $0x4000, $0x38;
	[tilespmem:$0x1C200] =	vst v63  }
0x2b: {  	_ =	swait.ge [sflag:s29], $0x4000  }
0x2c: {  	[sflag:s29] =	ssyncset.done $0x0  }
0x2d: {  	[sflag:s29] =	ssyncadd.s32 $0xFFFFC000  }
0x2e: {  	[spmem:s11] =	stream.linear.scatter [tilespmem:s28], [sflag:$0x7], $0x4000, $0x38;
	[tilespmem:$0x1C200] =	vst v63  }
0x2f: {  	_ =	swait.ge [sflag:s29], $0x4000  }
0x30: {  	[sflag:s29] =	ssyncset.done $0x0  }
0x31: {  	[sflag:s29] =	ssyncadd.s32 $0xFFFFC000  }
0x32: {  	[spmem:s12] =	stream.linear.scatter [tilespmem:s28], [sflag:$0x7], $0x4000, $0x38;
	[tilespmem:$0x1C200] =	vst v63  }
0x33: {  	_ =	swait.ge [sflag:s29], $0x4000  }
0x34: {  	[sflag:s29] =	ssyncset.done $0x0  }
0x35: {  	[sflag:s29] =	ssyncadd.s32 $0xFFFFC000  }
0x36: {  	[spmem:s13] =	stream.linear.scatter [tilespmem:s28], [sflag:$0x7], $0x4000, $0x38;
	[tilespmem:$0x1C200] =	vst v63  }
0x37: {  	_ =	swait.ge [sflag:s29], $0x4000  }
0x38: {  	[sflag:s29] =	ssyncset.done $0x0  }
0x39: {  	[sflag:s29] =	ssyncadd.s32 $0xFFFFC000  }
0x3a: {  	[spmem:s14] =	stream.linear.scatter [tilespmem:s28], [sflag:$0x7], $0x4000, $0x38;
	[tilespmem:$0x1C200] =	vst v63  }
0x3b: {  	_ =	swait.ge [sflag:s29], $0x4000  }
0x3c: {  	[sflag:s29] =	ssyncset.done $0x0  }
0x3d: {  	[sflag:s29] =	ssyncadd.s32 $0xFFFFC000  }
0x3e: {  	[bflag:$0x0] =	sbarrier.arrive $0xFFFF  }
0x3f: {  	_ =	swait.ge [sflag:s30], $0x80  }
0x40: {  	[sflag:s30] =	ssyncset.done $0x0  }
0x41: {  	[sflag:s30] =	ssyncadd.s32 $0xFFFFFF80  }
0x42: {  	[tilespmem:s28], [sflag:$0x1] =	stream.indirect.gather [hbm4b:s4+s24], $0x80, s3, s24, $0xb8;
	[tilespmem:$0x1C200] =	vst v63  }
0x43: {  	_ =	swait.ge [sflag:s31], $0x80  }
0x44: {  	[sflag:s31] =	ssyncset.done $0x0  }
0x45: {  	[sflag:s31] =	ssyncadd.s32 $0xFFFFFF80  }
0x46: {  	[tilespmem:s0], [sflag:$0x2] =	stream.indirect.gather [hbm4b:s4+s24], $0x80, s24, s24, $0xb8;
	[tilespmem:$0x1C200] =	vst v63  }
0x47: {  	_ =	swait.ge [sflag:s1], $0x4000  }
0x48: {  	[sflag:s1] =	ssyncset.done $0x0  }
0x49: {  	[sflag:s1] =	ssyncadd.s32 $0xFFFFC000  }
0x4a: {  	[tilespmem:s3], [sflag:$0x3] =	stream.linear.gather [hbm4b:s23+s3], $0x80, $0x38;
	[tilespmem:$0x1C200] =	vst v63  }
0x4b: {  	_ =	swait.ge [sflag:s5], $0x80  }
0x4c: {  	[sflag:s5] =	ssyncset.done $0x0  }
0x4d: {  	[sflag:s5] =	ssyncadd.s32 $0xFFFFFF80  }
0x4e: {  	[spmem:s2] =	stream.indirect.scatter.add.f32 [tilespmem:s28], [sflag:$0x7], $0x80, s25, s24, $0xb8;
	[tilespmem:$0x1C200] =	vst v63  }
0x4f: {  	_ =	swait.ge [sflag:s29], $0x4000  }
0x50: {  	[sflag:s29] =	ssyncset.done $0x0  }
0x51: {  	[sflag:s29] =	ssyncadd.s32 $0xFFFFC000  }
0x52: {  	_ =	swait.ge [sflag:s30], $0x80  }
0x53: {  	[sflag:s30] =	ssyncset.done $0x0  }
0x54: {  	[sflag:s30] =	ssyncadd.s32 $0xFFFFFF80  }
0x55: {  	[tilespmem:s28], [sflag:$0x1] =	stream.indirect.gather [hbm4b:s4+s24], $0x80, s3, s24, $0xb8;
	[tilespmem:$0x1C200] =	vst v63  }
0x56: {  	_ = 	snop  }
0x57: {  	[tilespmem:s25], [sflag:$0x5] =	stream.linear.gather [hbm4b:s22+s3], $0x80, $0x38;
	[tilespmem:$0x1C200] =	vst v63  }
0x58: {  	_ =	swait.ge [sflag:s6], $0x4000  }
0x59: {  	[sflag:s6] =	ssyncset.done $0x0  }
0x5a: {  	s18 =	sadd.s32 $0x10, s23;
	[sflag:s6] =	ssyncadd.s32 $0xFFFFC000  }
0x5b: {  	[tilespmem:s24], [sflag:$0x4] =	stream.linear.gather [hbm4b:s18+s3], $0x80, $0x38;
	[tilespmem:$0x1C200] =	vst v63  }
0x5c: {  	_ =	swait.ge [sflag:s7], $0x80  }
0x5d: {  	[sflag:s7] =	ssyncset.done $0x0  }
0x5e: {  	[sflag:s7] =	ssyncadd.s32 $0xFFFFFF80  }
0x5f: {  	[spmem:s2] =	stream.indirect.scatter.add.f32 [tilespmem:s0], [sflag:$0x7], $0x80, s26, s24, $0xb8;
	[tilespmem:$0x1C200] =	vst v63  }
0x60: {  	_ =	swait.ge [sflag:s29], $0x4000  }
0x61: {  	p0 =	sne.s32 s15, $0x1;
	[sflag:s29] =	ssyncset.done $0x0  }
.Ltmp0:
0x62: {  	[sflag:s29] =	ssyncadd.s32 $0xFFFFC000;
	(pc) =	sbr.rel @!p0 .LBB2_3-.Ltmp0, $4  }
0x63: {  	_ =	swait.ge [sflag:s31], $0x80  }
0x64: {  	s8 =	sadd.s32 $0xFFFFFFFF, s15;
	s16 =	sadd.s32 $0x20, s22;
	[sflag:s31] =	ssyncset.done $0x0  }
0x65: {  	s17 =	sadd.s32 $0x20, s23;
	s18 =	sadd.s32 $0x10, s22;
	[sflag:s31] =	ssyncadd.s32 $0xFFFFFF80  }
0x66: {  	[tilespmem:s0], [sflag:$0x2] =	stream.indirect.gather [hbm4b:s4+s24], $0x80, s24, s24, $0xb8;
	[tilespmem:$0x1C200] =	vst v63  }
.LBB2_2:
0x67: {  	[tilespmem:s26], [sflag:$0x6] =	stream.linear.gather [hbm4b:s18+s3], $0x80, $0x38;
	[tilespmem:$0x1C200] =	vst v63  }
0x68: {  	p0 =	sne.s32 s8, $0x1;
	s8 =	sadd.s32 $0xFFFFFFFF, s8;
	_ =	swait.ge [sflag:s1], $0x4000  }
0x69: {  	[sflag:s1] =	ssyncset.done $0x0  }
0x6a: {  	[sflag:s1] =	ssyncadd.s32 $0xFFFFC000  }
0x6b: {  	[tilespmem:s3], [sflag:$0x3] =	stream.linear.gather [hbm4b:s17+s3], $0x80, $0x38;
	[tilespmem:$0x1C200] =	vst v63  }
0x6c: {  	_ =	swait.ge [sflag:s5], $0x80  }
0x6d: {  	[sflag:s5] =	ssyncset.done $0x0  }
0x6e: {  	[sflag:s5] =	ssyncadd.s32 $0xFFFFFF80  }
0x6f: {  	[spmem:s2] =	stream.indirect.scatter.add.f32 [tilespmem:s28], [sflag:$0x7], $0x80, s25, s24, $0xb8;
	[tilespmem:$0x1C200] =	vst v63  }
0x70: {  	_ =	swait.ge [sflag:s29], $0x4000  }
0x71: {  	[sflag:s29] =	ssyncset.done $0x0  }
0x72: {  	[sflag:s29] =	ssyncadd.s32 $0xFFFFC000  }
0x73: {  	_ =	swait.ge [sflag:s30], $0x80  }
0x74: {  	[sflag:s30] =	ssyncset.done $0x0  }
0x75: {  	[sflag:s30] =	ssyncadd.s32 $0xFFFFFF80  }
0x76: {  	[tilespmem:s28], [sflag:$0x1] =	stream.indirect.gather [hbm4b:s4+s24], $0x80, s3, s24, $0xb8;
	[tilespmem:$0x1C200] =	vst v63  }
0x77: {  	_ = 	snop  }
0x78: {  	[tilespmem:s25], [sflag:$0x5] =	stream.linear.gather [hbm4b:s16+s3], $0x80, $0x38;
	[tilespmem:$0x1C200] =	vst v63  }
0x79: {  	_ =	swait.ge [sflag:s6], $0x4000  }
0x7a: {  	[sflag:s6] =	ssyncset.done $0x0  }
0x7b: {  	s18 =	sadd.s32 $0x10, s17;
	[sflag:s6] =	ssyncadd.s32 $0xFFFFC000  }
0x7c: {  	[tilespmem:s24], [sflag:$0x4] =	stream.linear.gather [hbm4b:s18+s3], $0x80, $0x38;
	[tilespmem:$0x1C200] =	vst v63  }
0x7d: {  	_ =	swait.ge [sflag:s7], $0x80  }
0x7e: {  	[sflag:s7] =	ssyncset.done $0x0  }
0x7f: {  	[sflag:s7] =	ssyncadd.s32 $0xFFFFFF80  }
0x80: {  	[spmem:s2] =	stream.indirect.scatter.add.f32 [tilespmem:s0], [sflag:$0x7], $0x80, s26, s24, $0xb8;
	[tilespmem:$0x1C200] =	vst v63  }
0x81: {  	_ =	swait.ge [sflag:s29], $0x4000  }
0x82: {  	[sflag:s29] =	ssyncset.done $0x0  }
0x83: {  	[sflag:s29] =	ssyncadd.s32 $0xFFFFC000  }
.Ltmp1:
0x84: {  	_ =	swait.ge [sflag:s31], $0x80;
	(pc) =	sbr.rel @p0 .LBB2_2-.Ltmp1, $4  }
0x85: {  	[sflag:s31] =	ssyncset.done $0x0  }
0x86: {  	[sflag:s31] =	ssyncadd.s32 $0xFFFFFF80  }
0x87: {  	[tilespmem:s0], [sflag:$0x2] =	stream.indirect.gather [hbm4b:s4+s24], $0x80, s24, s24, $0xb8;
	[tilespmem:$0x1C200] =	vst v63  }
0x88: {  	s17 =	sadd.s32 $0x20, s17;
	s18 =	sadd.s32 $0x10, s16;
	s16 =	sadd.s32 $0x20, s16  }
.LBB2_3:
0x89: {  	[tilespmem:s26], [sflag:$0x6] =	stream.linear.gather [hbm4b:s18+s3], $0x80, $0x38;
	[tilespmem:$0x1C200] =	vst v63  }
0x8a: {  	_ =	swait.ge [sflag:s1], $0x4000  }
0x8b: {  	[sflag:s1] =	ssyncset.done $0x0  }
0x8c: {  	[sflag:s1] =	ssyncadd.s32 $0xFFFFC000  }
0x8d: {  	_ =	swait.ge [sflag:s6], $0x4000  }
0x8e: {  	[sflag:s6] =	ssyncset.done $0x0  }
0x8f: {  	[sflag:s6] =	ssyncadd.s32 $0xFFFFC000  }
0x90: {  	_ =	swait.ge [sflag:s5], $0x80  }
0x91: {  	[sflag:s5] =	ssyncset.done $0x0  }
0x92: {  	[sflag:s5] =	ssyncadd.s32 $0xFFFFFF80  }
0x93: {  	_ =	swait.ge [sflag:s7], $0x80  }
0x94: {  	[sflag:s7] =	ssyncset.done $0x0  }
0x95: {  	[sflag:s7] =	ssyncadd.s32 $0xFFFFFF80  }
0x96: {  	[bflag:$0x0] =	sbarrier.arrive $0xFFFF  }
0x97: {  	[tilespmem:s28], [sflag:$0x7] =	stream.linear.gather [spmem:s10], $0x4000, $0x38;
	[tilespmem:$0x1C200] =	vst v63  }
0x98: {  	_ =	swait.ge [sflag:s29], $0x4000  }
0x99: {  	[sflag:s29] =	ssyncset.done $0x0  }
0x9a: {  	s8 =	rddreg [dreg:$0x8];
	[sflag:s29] =	ssyncadd.s32 $0xFFFFC000  }
0x9b: {  	[hbm4b:s8+s3] =	stream.linear.scatter [tilespmem:s28], [sflag:$0x7], $0x4000, $0x38;
	[tilespmem:$0x1C200] =	vst v63  }
0x9c: {  	_ =	swait.ge [sflag:s29], $0x4000  }
0x9d: {  	[sflag:s29] =	ssyncset.done $0x0  }
0x9e: {  	[sflag:s29] =	ssyncadd.s32 $0xFFFFC000  }
0x9f: {  	[tilespmem:s28], [sflag:$0x7] =	stream.linear.gather [spmem:s11], $0x4000, $0x38;
	[tilespmem:$0x1C200] =	vst v63  }
0xa0: {  	_ =	swait.ge [sflag:s29], $0x4000  }
0xa1: {  	[sflag:s29] =	ssyncset.done $0x0  }
0xa2: {  	s16 =	rddreg [dreg:$0x9];
	[sflag:s29] =	ssyncadd.s32 $0xFFFFC000  }
0xa3: {  	[hbm4b:s16+s3] =	stream.linear.scatter [tilespmem:s28], [sflag:$0x7], $0x4000, $0x38;
	[tilespmem:$0x1C200] =	vst v63  }
0xa4: {  	_ =	swait.ge [sflag:s29], $0x4000  }
0xa5: {  	[sflag:s29] =	ssyncset.done $0x0  }
0xa6: {  	[sflag:s29] =	ssyncadd.s32 $0xFFFFC000  }
0xa7: {  	[tilespmem:s28], [sflag:$0x7] =	stream.linear.gather [spmem:s12], $0x4000, $0x38;
	[tilespmem:$0x1C200] =	vst v63  }
0xa8: {  	_ =	swait.ge [sflag:s29], $0x4000  }
0xa9: {  	[sflag:s29] =	ssyncset.done $0x0  }
0xaa: {  	s17 =	rddreg [dreg:$0xa];
	[sflag:s29] =	ssyncadd.s32 $0xFFFFC000  }
0xab: {  	[hbm4b:s17+s3] =	stream.linear.scatter [tilespmem:s28], [sflag:$0x7], $0x4000, $0x38;
	[tilespmem:$0x1C200] =	vst v63  }
0xac: {  	_ =	swait.ge [sflag:s29], $0x4000  }
0xad: {  	[sflag:s29] =	ssyncset.done $0x0  }
0xae: {  	[sflag:s29] =	ssyncadd.s32 $0xFFFFC000  }
0xaf: {  	[tilespmem:s28], [sflag:$0x7] =	stream.linear.gather [spmem:s13], $0x4000, $0x38;
	[tilespmem:$0x1C200] =	vst v63  }
0xb0: {  	_ =	swait.ge [sflag:s29], $0x4000  }
0xb1: {  	[sflag:s29] =	ssyncset.done $0x0  }
0xb2: {  	s18 =	rddreg [dreg:$0xb];
	[sflag:s29] =	ssyncadd.s32 $0xFFFFC000  }
0xb3: {  	[hbm4b:s18+s3] =	stream.linear.scatter [tilespmem:s28], [sflag:$0x7], $0x4000, $0x38;
	[tilespmem:$0x1C200] =	vst v63  }
0xb4: {  	_ =	swait.ge [sflag:s29], $0x4000  }
0xb5: {  	[sflag:s29] =	ssyncset.done $0x0  }
0xb6: {  	[sflag:s29] =	ssyncadd.s32 $0xFFFFC000  }
0xb7: {  	[tilespmem:s28], [sflag:$0x7] =	stream.linear.gather [spmem:s14], $0x4000, $0x38;
	[tilespmem:$0x1C200] =	vst v63  }
0xb8: {  	s9 =	sadd.s32 $0x1, s9;
	_ =	swait.ge [sflag:s29], $0x4000  }
0xb9: {  	p0 =	sne.s32 s9, s21;
	[sflag:s29] =	ssyncset.done $0x0  }
.Ltmp2:
0xba: {  	[sflag:s29] =	ssyncadd.s32 $0xFFFFC000;
	(pc) =	sbr.rel @p0 .LBB2_1-.Ltmp2, $4  }
0xbb: {  	[hbm4b:s20+s3] =	stream.linear.scatter [tilespmem:s28], [sflag:$0x7], $0x4000, $0x38;
	[tilespmem:$0x1C200] =	vst v63  }
0xbc: {  	_ =	swait.ge [sflag:s29], $0x4000  }
0xbd: {  	[sflag:s29] =	ssyncset.done $0x0  }
0xbe: {  	[sflag:s29] =	ssyncadd.s32 $0xFFFFC000  }
0xbf: {  	_ =	sfence.sel $0x180000  }
0xc0: {  	[bflag:$0x0] =	sbarrier.arrive $0xFFFF  }
0xc1: {  	_ =	strace $0x9000004A  }
0xc2: {  	s0 =	stileid.u32;
	[bflag:$0x2] =	sbarrier.arrive $0xFFFF  }
0xc3: {  	p0 =	sne.s32 s0, $0x0;
	s0 =	rddreg [dreg:$0x3]  }
0xc4: {  	s0 =	sadd.s32 @!p0 $0x100000, s0  }
0xc5: {  	[sflag:s0] =	ssyncadd.tile.s32 @!p0 $0x1;
	_ =	shalt  }
.Lfunc_end2:
_tile_overlayer_lowered:
.L_overlay_start_2:
0xc6: {  	(tag) =	ssettag $0x2  }
0xc7: {  	s0 =	rddreg [dreg:$0x0];
	s2 =	stileid.u32  }
0xc8: {  	s1 =	rddreg [dreg:$0x1];
	p0 =	sne.s32 s2, $0x0  }
0xc9: {  	s3 =	rddreg [dreg:$0x2];
	[bflag:$0x3] =	sbarrier.arrive $0xFFFF;
	s2 =	simm.s32 @!p0 $0x1C07  }
0xca: {  	[timem:s3], [sflag:s2] =	dma.local @!p0 [hbm:s0], s1  }
0xcb: {  	s0 =	simm.s32 @!p0 $0x7  }
0xcc: {  	_ =	swait.ge @!p0 [sflag:s0], s1  }
0xcd: {  	s1 =	ssub.s32 @!p0 $0x0, s1;
	[sflag:s0] =	ssyncset.done @!p0 $0x0  }
0xce: {  	[sflag:s0] =	ssyncadd.s32 @!p0 s1  }
0xcf: {  	[bflag:$0x3] =	sbarrier.arrive $0xFFFF  }
0xd0: {  	_ =	shalt  }

// kernel: kernel.7.cloned.1.call-start
scs
__scs_entry_jumppad:
0x0: {  	(pc) =	sbr.rel $0x88, $3  }
0x1: {  	(tag) =	ssettag $0x0;
	lr =	simm.s32 $0x1  }
0x2: {  	[smem:$0x3F9B] =	sst lr;
	_ =	strace $0xD0000000  }
0x3: {  	_ = 	snop  }
0x4: {  	_ = 	snop  }
0x5: {  	_ = 	snop  }
0x6: {  	_ = 	snop  }
0x7: {  	_ = 	snop  }
__scs_overlays_trampoline_lowered:
0x8: {  	[smem:$0x3FAA] =	sst s0  }
0x9: {  	[smem:$0x3FAB] =	sst s1  }
0xa: {  	[smem:$0x3FAC] =	sst s2  }
0xb: {  	[smem:$0x3FAD] =	sst s3  }
0xc: {  	[smem:$0x3FAE] =	sst s4  }
0xd: {  	[smem:$0x3FAF] =	sst s5  }
0xe: {  	[smem:$0x3FB0] =	sst s6  }
0xf: {  	[smem:$0x3FB1] =	sst s7  }
0x10: {  	[smem:$0x3FB2] =	sst s8  }
0x11: {  	[smem:$0x3FB3] =	sst s9;
	s0 =	simm.s32 @!p0 $0x0  }
0x12: {  	s1 =	sld [smem:$0x3F99];
	s0 =	simm.s32 @p0 $0x1  }
0x13: {  	[smem:$0x3FB4] =	sst s0;
	s0 =	simm.s32 @!p1 $0x0  }
0x14: {  	s2 =	sld [smem:$0x3F98];
	s0 =	simm.s32 @p1 $0x1  }
0x15: {  	[smem:$0x3FB5] =	sst s0;
	s0 =	simm.s32 @!p2 $0x0  }
0x16: {  	s3 =	sld [smem:$0x3FDB];
	s0 =	simm.s32 @p2 $0x1  }
0x17: {  	s4 =	simm.s32 $0x1BF5;
	[smem:$0x3FB7] =	sst s0  }
0x18: {  	s0 =	sld [smem:$0x3F9A];
	_ =	swait.ge [sflag:s4], $0x0  }
0x19: {  	s7 =	sld [smem:$0x3F9B]  }
0x1a: {  	s8 =	sadd.s32 $0xFFFFE003, lr  }
0x1b: {  	s9 =	sadd.s32 $0xFFFFFEF7, lr;
	s5 =	simm.s32 $0xFFFFFFFF;
	p2 =	slt.u32 s8, $0xFFFFF086  }
0x1c: {  	p1 =	slt.u32 s9, $0xF7A;
	s5 =	simm.s32 @!p2 $0x0  }
0x1d: {  	s5 =	simm.s32 @p1 $0x1;
	p0 =	seq.s32 s7, s2  }
0x1e: {  	s7 =	smul.u32 @!p0 $0xF7A, s2;
	p2 =	seq.s32 @!p0 s5, $0x0  }
0x1f: {  	s9 =	smul.u32 $0xF7A, s1;
	s8 =	simm.s32 @!p0 $0x1BF5;
	p2 =	por !p2, p0  }
0x20: {  	[sflag:s8] =	ssyncset.s32 @!p0 $0xFFFFF086;
	s6 =	sadd.s32 @!p0 s3, s7;
	s7 =	simm.s32 @!p0 $0x108  }
0x21: {  	s3 =	sadd.s32 s3, s9;
	s6 =	sadd.s32 @!p0 $0x88, s6;
	s7 =	simm.s32 @p2 $0x1082  }
0x22: {  	[simem:s7], [sflag:s8] =	dma.local @!p0 [hbm:s6], $0xF7A  }
0x23: {  	s9 =	sor.u32 $0xD0000000, s2;
	s6 =	simm.s32 $0x108;
	_ =	swait.ge @!p0 [sflag:s8], $0x0  }
0x24: {  	s3 =	sadd.s32 $0x88, s3;
	s6 =	simm.s32 @!p1 $0x1082;
	[sflag:s4] =	ssyncset.s32 $0xFFFFF086  }
0x25: {  	[simem:s6], [sflag:s4] =	dma.local [hbm:s3], $0xF7A  }
0x26: {  	[smem:$0x3F9B] =	sst s1;
	(tag) =	ssettag s2;
	_ =	strace s9  }
0x27: {  	s1 =	sld [smem:$0x3FAB]  }
0x28: {  	s2 =	sld [smem:$0x3FAC]  }
0x29: {  	s4 =	sld [smem:$0x3FAE]  }
0x2a: {  	p0 =	seq.s32 s5, $0x0;
	s5 =	sld [smem:$0x3FAF]  }
0x2b: {  	s6 =	sld [smem:$0x3FB0]  }
0x2c: {  	s7 =	sld [smem:$0x3FB1]  }
0x2d: {  	s3 =	simm.s32 $0x108;
	s8 =	sld [smem:$0x3FB2]  }
0x2e: {  	s3 =	simm.s32 @!p0 $0x1082;
	s9 =	sld [smem:$0x3FB3]  }
0x2f: {  	lr =	sadd.s32 s0, s3;
	s0 =	sld [smem:$0x3FAA]  }
0x30: {  	s3 =	sld [smem:$0x3FAD]  }
0x31: {  	[smem:$0x3FB6] =	sst s10  }
0x32: {  	s10 =	sld [smem:$0x3FB4];
	_ =	sdelay $0x3  }
0x33: {  	p0 =	seq.s32 s10, $0x1;
	s10 =	sld [smem:$0x3FB6];
	_ =	sdelay $0x3  }
0x34: {  	[smem:$0x3FB6] =	sst s10  }
0x35: {  	s10 =	sld [smem:$0x3FB5];
	_ =	sdelay $0x3  }
0x36: {  	p1 =	seq.s32 s10, $0x1;
	s10 =	sld [smem:$0x3FB6];
	_ =	sdelay $0x3  }
0x37: {  	[smem:$0x3FB6] =	sst s10  }
0x38: {  	s10 =	sld [smem:$0x3FB7]  }
0x39: {  	_ = 	snop;
	(pc) =	sbr.ind lr, $3  }
0x3a: {  	_ = 	snop  }
0x3b: {  	_ = 	snop  }
0x3c: {  	p2 =	seq.s32 s10, $0x1;
	s10 =	sld [smem:$0x3FB6]  }
0x3d: {  	_ =	shalt  }
0x3e: {  	_ =	shalt  }
0x3f: {  	_ =	shalt  }
0x40: {  	_ =	shalt  }
0x41: {  	_ =	shalt  }
0x42: {  	_ =	shalt  }
0x43: {  	_ =	shalt  }
0x44: {  	_ =	shalt  }
0x45: {  	_ =	shalt  }
0x46: {  	_ =	shalt  }
0x47: {  	_ =	shalt  }
0x48: {  	_ =	shalt  }
0x49: {  	_ =	shalt  }
0x4a: {  	_ =	shalt  }
0x4b: {  	_ =	shalt  }
0x4c: {  	_ =	shalt  }
0x4d: {  	_ =	shalt  }
0x4e: {  	_ =	shalt  }
0x4f: {  	_ =	shalt  }
0x50: {  	_ =	shalt  }
0x51: {  	_ =	shalt  }
0x52: {  	_ =	shalt  }
0x53: {  	_ =	shalt  }
0x54: {  	_ =	shalt  }
0x55: {  	_ =	shalt  }
0x56: {  	_ =	shalt  }
0x57: {  	_ =	shalt  }
0x58: {  	_ =	shalt  }
0x59: {  	_ =	shalt  }
0x5a: {  	_ =	shalt  }
0x5b: {  	_ =	shalt  }
0x5c: {  	_ =	shalt  }
0x5d: {  	_ =	shalt  }
0x5e: {  	_ =	shalt  }
0x5f: {  	_ =	shalt  }
0x60: {  	_ =	shalt  }
0x61: {  	_ =	shalt  }
0x62: {  	_ =	shalt  }
0x63: {  	_ =	shalt  }
0x64: {  	_ =	shalt  }
0x65: {  	_ =	shalt  }
0x66: {  	_ =	shalt  }
0x67: {  	_ =	shalt  }
0x68: {  	_ =	shalt  }
0x69: {  	_ =	shalt  }
0x6a: {  	_ =	shalt  }
0x6b: {  	_ =	shalt  }
0x6c: {  	_ =	shalt  }
0x6d: {  	_ =	shalt  }
0x6e: {  	_ =	shalt  }
0x6f: {  	_ =	shalt  }
0x70: {  	_ =	shalt  }
0x71: {  	_ =	shalt  }
0x72: {  	_ =	shalt  }
0x73: {  	_ =	shalt  }
0x74: {  	_ =	shalt  }
0x75: {  	_ =	shalt  }
0x76: {  	_ =	shalt  }
0x77: {  	_ =	shalt  }
0x78: {  	_ =	shalt  }
0x79: {  	_ =	shalt  }
0x7a: {  	_ =	shalt  }
0x7b: {  	_ =	shalt  }
0x7c: {  	_ =	shalt  }
0x7d: {  	_ =	shalt  }
0x7e: {  	_ =	shalt  }
0x7f: {  	_ =	shalt  }
0x80: {  	_ =	shalt  }
0x81: {  	_ =	shalt  }
0x82: {  	_ =	shalt  }
0x83: {  	_ =	shalt  }
0x84: {  	_ =	shalt  }
0x85: {  	_ =	shalt  }
0x86: {  	_ =	shalt  }
0x87: {  	_ =	shalt  }
.Lfunc_end0:
.L_simem_size_0:
called_computation_lowered:
.L_overlay_start_0:
0x88: {  	s2 =	sld [smem:$0x3FD9]  }
0x89: {  	s3 =	sld [smem:$0x3FFE];
	_ =	sdelay $0x1  }
0x8a: {  	s1 =	srdreg.scid  }
0x8b: {  	s0 =	sand.u32 $0x1, s1  }
0x8c: {  	s17 =	sshll.u32 s0, $0xA;
	s2 =	sadd.s32 s3, s2  }
0x8d: {  	s2 =	sadd.s32 s2, s17  }
0x8e: {  	[smem:$0x3FC2] =	sst s2  }
0x8f: {  	_ = 	snop  }
0x90: {  	s2 =	sld [smem:$0x3FD0];
	(tm) =	ssettm $0x1  }
0x91: {  	s18 =	sld [smem:$0x3FFB];
	_ =	sdelay $0x3  }
0x92: {  	_ =	strace s18  }
0x93: {  	s3 =	sld [smem:$0x3FFC];
	_ =	sdelay $0x3  }
0x94: {  	_ =	strace s3  }
0x95: {  	s3 =	sld [smem:$0x3FFD];
	_ =	sdelay $0x3  }
0x96: {  	_ =	strace s3  }
0x97: {  	_ =	strace $0x8FFFFFFF  }
0x98: {  	s19 =	sld [smem:$0x3FDB];
	_ =	sdelay $0x1  }
0x99: {  	s4 =	simm.s32 $_scs_section_size  }
0x9a: {  	s5 =	simm.s32 $_size__tile_overlayer_lowered;
	s6 =	simm.s32 $_tile_overlayer_lowered  }
0x9b: {  	s22 =	simm.s32 $0x1BFF;
	s21 =	sshll.u32 s6, $0x1;
	s3 =	sadd.s32 s4, s19  }
0x9c: {  	s7 =	simm.s32 $0x0;
	s20 =	sshll.u32 s5, $0x1;
	s5 =	sadd.s32 s21, s3  }
0x9d: {  	[timem:s7], [sflag:s22] =	dma.local [hbm:s5], s20  }
0x9e: {  	_ =	swait.ge [sflag:s22], s20  }
0x9f: {  	s4 =	ssub.s32 $0x0, s20;
	[sflag:s22] =	ssyncset.done $0x0  }
0xa0: {  	[sflag:s22] =	ssyncadd.s32 s4;
	_ =	sdelay $0x1  }
0xa1: {  	s23 =	simm.s32 $0x1B8B  }
0xa2: {  	_ =	swait.ge [sflag:s23], $0x1  }
0xa3: {  	[sflag:s23] =	ssyncset.done $0x0  }
0xa4: {  	s25 =	simm.s32 $0x1B8E;
	s24 =	sld [smem:$0x3FFE];
	[sflag:s23] =	ssyncadd.s32 $0xFFFFFFFF  }
0xa5: {  	s26 =	simm.s32 $execute0_lowered;
	[smem:$0x3FD2] =	sst s25  }
0xa6: {  	s5 =	sshll.u32 s26, $0x1;
	_ =	strace $0x80000046;
	[dreg:$0x1] =	wrdreg $0xFFFFFFFF  }
0xa7: {  	s28 =	simm.s32 $_size_execute0_lowered;
	s3 =	sadd.s32 s3, s5;
	[dreg:$0x0] =	wrdreg $0x0  }
0xa8: {  	s5 =	sshll.u32 s28, $0x1;
	[dreg:$0x2] =	wrdreg s3  }
0xa9: {  	[dreg:$0x3] =	wrdreg s5  }
0xaa: {  	[dreg:$0x4] =	wrdreg $0xC0  }
0xab: {  	_ =	task [dreg:s7], $0x5FFFF  }
0xac: {  	[dreg:$0x1] =	wrdreg $0xFFFFFFFF  }
0xad: {  	[dreg:$0x0] =	wrdreg $0x60  }
0xae: {  	[dreg:$0x2] =	wrdreg s2  }
0xaf: {  	[dreg:$0x3] =	wrdreg s24  }
0xb0: {  	[dreg:$0x4] =	wrdreg $0x35800  }
0xb1: {  	[dreg:$0x5] =	wrdreg $0x9  }
0xb2: {  	_ =	task.clear_ibuf [dreg:s7], $0x6FFFF;
	_ =	strace $0x90000046  }
0xb3: {  	s29 =	simm.s32 $0x9;
	_ =	strace $0x80000048  }
0xb4: {  	_ =	swait.ge [sflag:s29], $0x1  }
0xb5: {  	[sflag:s29] =	ssyncadd.s32 $0xFFFFFFFF  }
0xb6: {  	_ =	strace $0x90000048  }
0xb7: {  	_ =	sfence  }
0xb8: {  	s30 =	sld [smem:$0x0];
	_ =	sdelay $0x2  }
0xb9: {  	s31 =	sshll.u32 s1, $0xD;
	s1 =	sshrl.u32 s1, $0x2  }
0xba: {  	s3 =	sand.u32 $0x4000, s31;
	s1 =	sadd.s32 s1, s30  }
0xbb: {  	s0 =	sor.u32 s3, s0;
	s1 =	sshll.u32 s1, $0x11  }
0xbc: {  	s0 =	sor.u32 s1, s0  }
0xbd: {  	s0 =	sadd.s32 $0x8F2B, s0  }
0xbe: {  	[sflag:s0] =	ssyncadd.remote.s32 $0x1  }
0xbf: {  	_ =	sfence.sel $0xFFFF  }
0xc0: {  	[dreg:$0x0] =	wrdreg $0xFFFFFFFF;
	(pc) =	sbr.abs _section_cstart, $3  }
0xc1: {  	[dreg:$0x1] =	wrdreg $0xFFFFFFFF  }
0xc2: {  	_ =	task.clear_ibuf [dreg:s7], $0x2FFFF;
	_ =	strace $0x9FFFFFFF  }
0xc3: {  	(tm) =	ssettm $0x7FFFFFFF  }
tec
execute0_lowered:
.L_overlay_start_1:
0x0: {  	(tag) =	ssettag $0x1  }
0x1: {  	s6 =	rddreg [dreg:$0x0]  }
0x2: {  	s5 =	rddreg [dreg:$0x1]  }
0x3: {  	s2 =	rddreg [dreg:$0x2]  }
0x4: {  	s0 =	rddreg [dreg:$0x3];
	s4 =	srdreg.scid  }
0x5: {  	s1 =	stileid.u32;
	s3 =	simm.s32 $0x0;
	s13 =	simm.s32 $0x3280  }
0x6: {  	s14 =	simm.s32 $0x3300;
	s15 =	simm.s32 $0x100;
	s16 =	simm.s32 $0x0  }
0x7: {  	s7 =	sand.u32 $0x1, s4;
	s8 =	smul.u32 $0x500, s1;
	[smem:$0x7FF] =	sst s3  }
0x8: {  	s4 =	sadd.s32 $0x1A00, s5;
	s12 =	smul.u32 $0xA00, s1;
	s9 =	sshll.u32 s7, $0x7  }
0x9: {  	_ =	strace $0x80000047;
	s30 =	ssub.s32 $0x2, s7;
	s10 =	sshll.u32 s7, $0x4  }
0xa: {  	p0 =	seq.s32 s7, $0x0;
	s8 =	sor.u32 s9, s8;
	s11 =	sshrl.u32 s30, $0x1  }
0xb: {  	s10 =	sor.u32 s1, s10;
	s31 =	sshrl.u32 s12, $0x2;
	s12 =	simm.s32 $0x80  }
0xc: {  	s8 =	sshrl.u32 s8, $0x3;
	s9 =	ssub.s32 s30, s11;
	s10 =	smul.u32 $0x600, s10  }
0xd: {  	s7 =	sadd.s32 s31, s2;
	s8 =	sadd.s32 s8, s5;
	s5 =	simm.s32 $0x5A  }
0xe: {  	s11 =	simm.s32 $0x3000;
	s9 =	smax.u32 s9, $0x1;
	s5 =	simm.s32 @!p0 $0x44  }
0xf: {  	v0 =	vimm.f32 $1.000000000e+00;
	s6 =	sadd.s32 s6, s10;
	s8 =	sadd.s32 $0x1C00, s8;
	s10 =	simm.s32 $0x1  }
.LBB2_1:
0x10: {  	[tilespmem:s3], [sflag:$0x1] =	stream.linear.gather [hbm4b:s6+s3], $0x3000, $0x38;
	[tilespmem:$0x3800] =	vst v63  }
0x11: {  	_ =	swait.ge [sflag:s10], $0x3000  }
0x12: {  	[sflag:s10] =	ssyncset.done $0x0  }
0x13: {  	[sflag:s10] =	ssyncadd.s32 $0xFFFFD000  }
0x14: {  	[tilespmem:s11], [sflag:$0x1] =	stream.linear.gather [hbm4b:s4+s3], $0x280, $0x38;
	[tilespmem:$0x3800] =	vst v63  }
0x15: {  	_ =	swait.ge [sflag:s10], $0x280  }
0x16: {  	[sflag:s10] =	ssyncset.done $0x0  }
0x17: {  	[sflag:s10] =	ssyncadd.s32 $0xFFFFFD80  }
0x18: {  	[spmem:s7] =	stream.linear.scatter [tilespmem:s11], [sflag:$0x1], $0x280, $0x38;
	[tilespmem:$0x3800] =	vst v63  }
0x19: {  	_ =	swait.ge [sflag:s10], $0x280  }
0x1a: {  	[sflag:s10] =	ssyncset.done $0x0  }
0x1b: {  	[sflag:s10] =	ssyncadd.s32 $0xFFFFFD80  }
0x1c: {  	[tilespmem:$0x3280] =	vst v0  }
0x1d: {  	[tilespmem:$0x3290] =	vst v0  }
0x1e: {  	[tilespmem:$0x32A0] =	vst v0  }
0x1f: {  	[tilespmem:$0x32B0] =	vst v0  }
0x20: {  	[tilespmem:$0x32C0] =	vst v0  }
0x21: {  	[tilespmem:$0x32D0] =	vst v0  }
0x22: {  	p0 =	sne.s32 s5, $0x1;
	[tilespmem:$0x32E0] =	vst v0  }
.Ltmp0:
0x23: {  	[tilespmem:$0x32F0] =	vst v0;
	(pc) =	sbr.rel @!p0 .LBB2_3-.Ltmp0, $4  }
0x24: {  	[bflag:$0x0] =	sbarrier.arrive $0xFFFF  }
0x25: {  	[spmem:s2] =	stream.indirect.scatter.add.f32 [tilespmem:s13], [sflag:$0x1], $0x1, s3, s12, $0xb8;
	[tilespmem:$0x3800] =	vst v63  }
0x26: {  	_ =	swait.ge [sflag:s10], $0x80  }
0x27: {  	s17 =	sadd.s32 $0xFFFFFFFF, s5;
	s18 =	simm.s32 $0x0;
	[sflag:s10] =	ssyncset.done $0x0  }
.LBB2_2:
0x28: {  	p0 =	sne.s32 s17, $0x1;
	[sflag:s10] =	ssyncadd.s32 $0xFFFFFF80;
	s18 =	sadd.s32 $0x80, s18  }
.Ltmp1:
0x29: {  	s17 =	sadd.s32 $0xFFFFFFFF, s17;
	(pc) =	sbr.rel @p0 .LBB2_2-.Ltmp1, $4  }
0x2a: {  	_ = 	snop  }
0x2b: {  	[spmem:s2] =	stream.indirect.scatter.add.f32 [tilespmem:s13], [sflag:$0x1], $0x1, s18, s12, $0xb8;
	[tilespmem:$0x3800] =	vst v63  }
0x2c: {  	_ =	swait.ge [sflag:s10], $0x80  }
0x2d: {  	[sflag:s10] =	ssyncset.done $0x0  }
.LBB2_3:
0x2e: {  	[sflag:s10] =	ssyncadd.s32 $0xFFFFFF80  }
0x2f: {  	[bflag:$0x0] =	sbarrier.arrive $0xFFFF  }
0x30: {  	[tilespmem:s14], [sflag:$0x1] =	stream.linear.gather [spmem:s7], $0x280, $0x38;
	[tilespmem:$0x3800] =	vst v63  }
0x31: {  	s16 =	sadd.s32 $0x1, s16;
	_ =	swait.ge [sflag:s10], $0x280  }
0x32: {  	p0 =	sne.s32 s16, s9;
	[sflag:s10] =	ssyncset.done $0x0  }
.Ltmp2:
0x33: {  	[sflag:s10] =	ssyncadd.s32 $0xFFFFFD80;
	(pc) =	sbr.rel @p0 .LBB2_1-.Ltmp2, $4  }
0x34: {  	[hbm4b:s8+s12] =	stream.strided.scatter [tilespmem:s14], [sflag:$0x1], $0x280, s15, s12, $0x38;
	[tilespmem:$0x3800] =	vst v63  }
0x35: {  	_ =	swait.ge [sflag:s10], $0x280  }
0x36: {  	[sflag:s10] =	ssyncset.done $0x0  }
0x37: {  	[sflag:s10] =	ssyncadd.s32 $0xFFFFFD80  }
0x38: {  	_ =	sfence.sel $0x180000  }
0x39: {  	[bflag:$0x0] =	sbarrier.arrive $0xFFFF  }
0x3a: {  	p0 =	sne.s32 s1, $0x0;
	_ =	strace $0x90000047  }
0x3b: {  	s0 =	sadd.s32 @!p0 $0x100000, s0;
	[bflag:$0x2] =	sbarrier.arrive $0xFFFF  }
0x3c: {  	[sflag:s0] =	ssyncadd.tile.s32 @!p0 $0x1;
	_ =	shalt  }
.Lfunc_end2:
_tile_overlayer_lowered:
.L_overlay_start_2:
0x3d: {  	(tag) =	ssettag $0x2  }
0x3e: {  	s0 =	rddreg [dreg:$0x0];
	s2 =	stileid.u32  }
0x3f: {  	s1 =	rddreg [dreg:$0x1];
	p0 =	sne.s32 s2, $0x0  }
0x40: {  	s3 =	rddreg [dreg:$0x2];
	[bflag:$0x3] =	sbarrier.arrive $0xFFFF;
	s2 =	simm.s32 @!p0 $0x1C01  }
0x41: {  	[timem:s3], [sflag:s2] =	dma.local @!p0 [hbm:s0], s1  }
0x42: {  	s0 =	simm.s32 @!p0 $0x1  }
0x43: {  	_ =	swait.ge @!p0 [sflag:s0], s1  }
0x44: {  	s1 =	ssub.s32 @!p0 $0x0, s1;
	[sflag:s0] =	ssyncset.done @!p0 $0x0  }
0x45: {  	[sflag:s0] =	ssyncadd.s32 @!p0 s1  }
0x46: {  	[bflag:$0x3] =	sbarrier.arrive $0xFFFF  }
0x47: {  	_ =	shalt  }

</sc_bundles>
